<compile_context>
chip_gen: v7x
topology: tpu7x:2x2x1
jax: 0.10.2.dev20260603
libtpu: 0.0.44.dev20260713+nightly
codegen_flags: <defaults>
</compile_context>

<pallas_src>
import functools
import jax
import jax.numpy as jnp
from jax import lax
from jax.experimental import pallas as pl
from jax.experimental.pallas import tpu as pltpu
from jax.experimental.pallas import tpu_sc as plsc

N_ROWS = 4096
N_COLS = 1000
NW = 32
LPW = N_ROWS // NW
RC = 200
NCH = N_COLS // RC
NV = LPW // 16


def _sc_kernel(p_hbm, t_hbm, out_hbm, pbuf, tbuf, rm, cnt, stage):
    wid = lax.axis_index("s") * 2 + lax.axis_index("c")
    lane0 = wid * LPW

    inf16 = jnp.full((16,), jnp.inf, jnp.float32)
    zero16 = jnp.zeros((16,), jnp.float32)
    one16 = jnp.ones((16,), jnp.float32)
    for v in range(NV):
        rm[pl.ds(v * 16, 16)] = inf16
        cnt[pl.ds(v * 16, 16)] = zero16

    def chunk_min(c, carry):
        pltpu.sync_copy(p_hbm.at[pl.ds(c * RC, RC), pl.ds(lane0, LPW)], pbuf)
        pltpu.sync_copy(t_hbm.at[pl.ds(c * RC, RC), pl.ds(lane0, LPW)], tbuf)

        def row(r, carry2):
            for v in range(NV):
                pv = pbuf[r, pl.ds(v * 16, 16)]
                tv = tbuf[r, pl.ds(v * 16, 16)]
                m = jnp.where(tv > 0.0, pv, inf16)
                rm[pl.ds(v * 16, 16)] = jnp.minimum(rm[pl.ds(v * 16, 16)], m)
            return carry2

        return lax.fori_loop(0, RC, row, carry)

    lax.fori_loop(0, NCH, chunk_min, 0)

    def chunk_cnt(c, carry):
        pltpu.sync_copy(p_hbm.at[pl.ds(c * RC, RC), pl.ds(lane0, LPW)], pbuf)

        def row(r, carry2):
            for v in range(NV):
                pv = pbuf[r, pl.ds(v * 16, 16)]
                ge = pv >= rm[pl.ds(v * 16, 16)]
                cnt[pl.ds(v * 16, 16)] = cnt[pl.ds(v * 16, 16)] + jnp.where(ge, one16, zero16)
            return carry2

        return lax.fori_loop(0, RC, row, carry)

    lax.fori_loop(0, NCH, chunk_cnt, 0)

    total = zero16
    for v in range(NV):
        guarded = jnp.where(rm[pl.ds(v * 16, 16)] < jnp.inf, cnt[pl.ds(v * 16, 16)], zero16)
        total = total + guarded
    stage[...] = total
    pltpu.sync_copy(stage, out_hbm.at[wid])


def kernel(predict_probs, true_labels):
    p = predict_probs.T
    t = true_labels.T
    mesh = plsc.VectorSubcoreMesh(core_axis_name="c", subcore_axis_name="s")
    k = functools.partial(
        pl.kernel,
        mesh=mesh,
        out_type=jax.ShapeDtypeStruct((NW, 16), jnp.float32),
        scratch_types=[
            pltpu.VMEM((RC, LPW), jnp.float32),
            pltpu.VMEM((RC, LPW), jnp.float32),
            pltpu.VMEM((LPW,), jnp.float32),
            pltpu.VMEM((LPW,), jnp.float32),
            pltpu.VMEM((16,), jnp.float32),
        ],
    )(_sc_kernel)
    out = k(p, t)
    return jnp.sum(out) / N_ROWS

# --- scband reference (transcript-rebuilt; emitter-appended) ---
"""Pipeline reference for scband-coverage-error-23287312679447 (READ-ONLY COPY).

The authoritative reference and input builder live on the scoring server;
editing this copy changes nothing except your own understanding.
"""

import jax, jax.numpy as jnp
import numpy as np


def coverage_error(y_true, y_score):
    # sklearn-style coverage error: for each sample, the number of labels
    # that must be included (ranked by score) to cover all true labels,
    # averaged over samples.
    relevant = y_true > 0
    masked = jnp.where(relevant, y_score, jnp.inf)
    y_min_relevant = jnp.min(masked, axis=1)  # min score among true labels
    coverage = jnp.sum((y_score >= y_min_relevant[:, None]).astype(jnp.float32), axis=1)
    has_relevant = jnp.any(relevant, axis=1)
    coverage = jnp.where(has_relevant, coverage, 0.0)
    return jnp.mean(coverage)


def setup_inputs(seed: int = 0) -> dict:
    key = jax.random.key(seed)
    k1, k2 = jax.random.split(key)
    predict_probs = jax.random.uniform(k1, (4096, 1000), dtype=jnp.float32)
    true_labels = jax.random.randint(k2, (4096, 1000), 0, 2).astype(jnp.float32)
    return {"predict_probs": predict_probs, "true_labels": true_labels}


def reference(predict_probs, true_labels):
    return coverage_error(true_labels, predict_probs)

if __name__ == "__main__":
    import jax
    _d = setup_inputs()
    print(jax.jit(kernel)(*tuple(_d.values())))

</pallas_src>

<mosaic_0001>
#map = affine_map<(d0, d1) -> (0, 0)>
module attributes {stable_mosaic.version = 14 : i64} {
  func.func @_sc_kernel(%arg0: i32, %arg1: i32, %arg2: memref<1000x4096xf32, #tpu.memory_space<hbm>>, %arg3: memref<1000x4096xf32, #tpu.memory_space<hbm>>, %arg4: memref<32x16xf32, #tpu.memory_space<hbm>>, %arg5: memref<200x128xf32, #tpu.memory_space<vmem>>, %arg6: memref<200x128xf32, #tpu.memory_space<vmem>>, %arg7: memref<128xf32, #tpu.memory_space<vmem>>, %arg8: memref<128xf32, #tpu.memory_space<vmem>>, %arg9: memref<16xf32, #tpu.memory_space<vmem>>) attributes {dimension_semantics = [#tpu.dimension_semantics<core_parallel>, #tpu.dimension_semantics<subcore_parallel>], iteration_bounds = array<i64: 2, 16>, scalar_prefetch = 0 : i64, scratch_operands = 5 : i64, tpu.core_type = #tpu.core_type<sc_vector_subcore>, window_params = [{transform_indices = #map}, {transform_indices = #map}, {transform_indices = #map}]} {
    %mul3A = arith.constant 2 : i32
    %mul3A_0 = arith.muli %arg1, %mul3A : i32
    %add3A = arith.addi %mul3A_0, %arg0 : i32
    %mul3A_1 = arith.constant 128 : i32
    %mul3A_2 = arith.muli %add3A, %mul3A_1 : i32
    %broadcast_in_dim3A = arith.constant 0x7F800000 : f32
    %broadcast_in_dim3A_3 = vector.broadcast %broadcast_in_dim3A : f32 to vector<16xf32>
    %broadcast_in_dim3A_4 = arith.constant 0.000000e+00 : f32
    %broadcast_in_dim3A_5 = vector.broadcast %broadcast_in_dim3A_4 : f32 to vector<16xf32>
    %broadcast_in_dim3A_6 = arith.constant 1.000000e+00 : f32
    %broadcast_in_dim3A_7 = vector.broadcast %broadcast_in_dim3A_6 : f32 to vector<16xf32>
    %swap3A = arith.constant 0 : index
    %swap3A_8 = tpu.vector_load %arg7[%swap3A] {strides = array<i32>} : memref<128xf32, #tpu.memory_space<vmem>>, vector<16xf32>,
    %swap3A_9 = vector.shape_cast %swap3A_8 : vector<16xf32> to vector<16xf32>
    %swap3A_10 = vector.shape_cast %broadcast_in_dim3A_3 : vector<16xf32> to vector<16xf32>
    tpu.vector_store %arg7[%swap3A], %swap3A_10 {strides = array<i32>} : memref<128xf32, #tpu.memory_space<vmem>>, vector<16xf32>,
    %swap3A_11 = arith.constant 0 : index
    %swap3A_12 = tpu.vector_load %arg8[%swap3A_11] {strides = array<i32>} : memref<128xf32, #tpu.memory_space<vmem>>, vector<16xf32>,
    %swap3A_13 = vector.shape_cast %swap3A_12 : vector<16xf32> to vector<16xf32>
    %swap3A_14 = vector.shape_cast %broadcast_in_dim3A_5 : vector<16xf32> to vector<16xf32>
    tpu.vector_store %arg8[%swap3A_11], %swap3A_14 {strides = array<i32>} : memref<128xf32, #tpu.memory_space<vmem>>, vector<16xf32>,
    %swap3A_15 = arith.constant 16 : index
    %swap3A_16 = tpu.vector_load %arg7[%swap3A_15] {strides = array<i32>} : memref<128xf32, #tpu.memory_space<vmem>>, vector<16xf32>,
    %swap3A_17 = vector.shape_cast %swap3A_16 : vector<16xf32> to vector<16xf32>
    %swap3A_18 = vector.shape_cast %broadcast_in_dim3A_3 : vector<16xf32> to vector<16xf32>
    tpu.vector_store %arg7[%swap3A_15], %swap3A_18 {strides = array<i32>} : memref<128xf32, #tpu.memory_space<vmem>>, vector<16xf32>,
    %swap3A_19 = arith.constant 16 : index
    %swap3A_20 = tpu.vector_load %arg8[%swap3A_19] {strides = array<i32>} : memref<128xf32, #tpu.memory_space<vmem>>, vector<16xf32>,
    %swap3A_21 = vector.shape_cast %swap3A_20 : vector<16xf32> to vector<16xf32>
    %swap3A_22 = vector.shape_cast %broadcast_in_dim3A_5 : vector<16xf32> to vector<16xf32>
    tpu.vector_store %arg8[%swap3A_19], %swap3A_22 {strides = array<i32>} : memref<128xf32, #tpu.memory_space<vmem>>, vector<16xf32>,
    %swap3A_23 = arith.constant 32 : index
    %swap3A_24 = tpu.vector_load %arg7[%swap3A_23] {strides = array<i32>} : memref<128xf32, #tpu.memory_space<vmem>>, vector<16xf32>,
    %swap3A_25 = vector.shape_cast %swap3A_24 : vector<16xf32> to vector<16xf32>
    %swap3A_26 = vector.shape_cast %broadcast_in_dim3A_3 : vector<16xf32> to vector<16xf32>
    tpu.vector_store %arg7[%swap3A_23], %swap3A_26 {strides = array<i32>} : memref<128xf32, #tpu.memory_space<vmem>>, vector<16xf32>,
    %swap3A_27 = arith.constant 32 : index
    %swap3A_28 = tpu.vector_load %arg8[%swap3A_27] {strides = array<i32>} : memref<128xf32, #tpu.memory_space<vmem>>, vector<16xf32>,
    %swap3A_29 = vector.shape_cast %swap3A_28 : vector<16xf32> to vector<16xf32>
    %swap3A_30 = vector.shape_cast %broadcast_in_dim3A_5 : vector<16xf32> to vector<16xf32>
    tpu.vector_store %arg8[%swap3A_27], %swap3A_30 {strides = array<i32>} : memref<128xf32, #tpu.memory_space<vmem>>, vector<16xf32>,
    %swap3A_31 = arith.constant 48 : index
    %swap3A_32 = tpu.vector_load %arg7[%swap3A_31] {strides = array<i32>} : memref<128xf32, #tpu.memory_space<vmem>>, vector<16xf32>,
    %swap3A_33 = vector.shape_cast %swap3A_32 : vector<16xf32> to vector<16xf32>
    %swap3A_34 = vector.shape_cast %broadcast_in_dim3A_3 : vector<16xf32> to vector<16xf32>
    tpu.vector_store %arg7[%swap3A_31], %swap3A_34 {strides = array<i32>} : memref<128xf32, #tpu.memory_space<vmem>>, vector<16xf32>,
    %swap3A_35 = arith.constant 48 : index
    %swap3A_36 = tpu.vector_load %arg8[%swap3A_35] {strides = array<i32>} : memref<128xf32, #tpu.memory_space<vmem>>, vector<16xf32>,
    %swap3A_37 = vector.shape_cast %swap3A_36 : vector<16xf32> to vector<16xf32>
    %swap3A_38 = vector.shape_cast %broadcast_in_dim3A_5 : vector<16xf32> to vector<16xf32>
    tpu.vector_store %arg8[%swap3A_35], %swap3A_38 {strides = array<i32>} : memref<128xf32, #tpu.memory_space<vmem>>, vector<16xf32>,
    %swap3A_39 = arith.constant 64 : index
    %swap3A_40 = tpu.vector_load %arg7[%swap3A_39] {strides = array<i32>} : memref<128xf32, #tpu.memory_space<vmem>>, vector<16xf32>,
    %swap3A_41 = vector.shape_cast %swap3A_40 : vector<16xf32> to vector<16xf32>
    %swap3A_42 = vector.shape_cast %broadcast_in_dim3A_3 : vector<16xf32> to vector<16xf32>
    tpu.vector_store %arg7[%swap3A_39], %swap3A_42 {strides = array<i32>} : memref<128xf32, #tpu.memory_space<vmem>>, vector<16xf32>,
    %swap3A_43 = arith.constant 64 : index
    %swap3A_44 = tpu.vector_load %arg8[%swap3A_43] {strides = array<i32>} : memref<128xf32, #tpu.memory_space<vmem>>, vector<16xf32>,
    %swap3A_45 = vector.shape_cast %swap3A_44 : vector<16xf32> to vector<16xf32>
    %swap3A_46 = vector.shape_cast %broadcast_in_dim3A_5 : vector<16xf32> to vector<16xf32>
    tpu.vector_store %arg8[%swap3A_43], %swap3A_46 {strides = array<i32>} : memref<128xf32, #tpu.memory_space<vmem>>, vector<16xf32>,
    %swap3A_47 = arith.constant 80 : index
    %swap3A_48 = tpu.vector_load %arg7[%swap3A_47] {strides = array<i32>} : memref<128xf32, #tpu.memory_space<vmem>>, vector<16xf32>,
    %swap3A_49 = vector.shape_cast %swap3A_48 : vector<16xf32> to vector<16xf32>
    %swap3A_50 = vector.shape_cast %broadcast_in_dim3A_3 : vector<16xf32> to vector<16xf32>
    tpu.vector_store %arg7[%swap3A_47], %swap3A_50 {strides = array<i32>} : memref<128xf32, #tpu.memory_space<vmem>>, vector<16xf32>,
    %swap3A_51 = arith.constant 80 : index
    %swap3A_52 = tpu.vector_load %arg8[%swap3A_51] {strides = array<i32>} : memref<128xf32, #tpu.memory_space<vmem>>, vector<16xf32>,
    %swap3A_53 = vector.shape_cast %swap3A_52 : vector<16xf32> to vector<16xf32>
    %swap3A_54 = vector.shape_cast %broadcast_in_dim3A_5 : vector<16xf32> to vector<16xf32>
    tpu.vector_store %arg8[%swap3A_51], %swap3A_54 {strides = array<i32>} : memref<128xf32, #tpu.memory_space<vmem>>, vector<16xf32>,
    %swap3A_55 = arith.constant 96 : index
    %swap3A_56 = tpu.vector_load %arg7[%swap3A_55] {strides = array<i32>} : memref<128xf32, #tpu.memory_space<vmem>>, vector<16xf32>,
    %swap3A_57 = vector.shape_cast %swap3A_56 : vector<16xf32> to vector<16xf32>
    %swap3A_58 = vector.shape_cast %broadcast_in_dim3A_3 : vector<16xf32> to vector<16xf32>
    tpu.vector_store %arg7[%swap3A_55], %swap3A_58 {strides = array<i32>} : memref<128xf32, #tpu.memory_space<vmem>>, vector<16xf32>,
    %swap3A_59 = arith.constant 96 : index
    %swap3A_60 = tpu.vector_load %arg8[%swap3A_59] {strides = array<i32>} : memref<128xf32, #tpu.memory_space<vmem>>, vector<16xf32>,
    %swap3A_61 = vector.shape_cast %swap3A_60 : vector<16xf32> to vector<16xf32>
    %swap3A_62 = vector.shape_cast %broadcast_in_dim3A_5 : vector<16xf32> to vector<16xf32>
    tpu.vector_store %arg8[%swap3A_59], %swap3A_62 {strides = array<i32>} : memref<128xf32, #tpu.memory_space<vmem>>, vector<16xf32>,
    %swap3A_63 = arith.constant 112 : index
    %swap3A_64 = tpu.vector_load %arg7[%swap3A_63] {strides = array<i32>} : memref<128xf32, #tpu.memory_space<vmem>>, vector<16xf32>,
    %swap3A_65 = vector.shape_cast %swap3A_64 : vector<16xf32> to vector<16xf32>
    %swap3A_66 = vector.shape_cast %broadcast_in_dim3A_3 : vector<16xf32> to vector<16xf32>
    tpu.vector_store %arg7[%swap3A_63], %swap3A_66 {strides = array<i32>} : memref<128xf32, #tpu.memory_space<vmem>>, vector<16xf32>,
    %swap3A_67 = arith.constant 112 : index
    %swap3A_68 = tpu.vector_load %arg8[%swap3A_67] {strides = array<i32>} : memref<128xf32, #tpu.memory_space<vmem>>, vector<16xf32>,
    %swap3A_69 = vector.shape_cast %swap3A_68 : vector<16xf32> to vector<16xf32>
    %swap3A_70 = vector.shape_cast %broadcast_in_dim3A_5 : vector<16xf32> to vector<16xf32>
    tpu.vector_store %arg8[%swap3A_67], %swap3A_70 {strides = array<i32>} : memref<128xf32, #tpu.memory_space<vmem>>, vector<16xf32>,
    %scan3A = arith.constant 0 : i32
    %scan3A_71 = arith.constant 0 : i32
    %scan3A_72 = arith.constant 5 : i32
    %scan3A_73 = arith.addi %scan3A_71, %scan3A_72 : i32
    %scan3A_74 = arith.constant 1 : i32
    scf.for %scan3A_171 = %scan3A_71 to %scan3A_73 step %scan3A_74  : i32 {
      %mul3A_172 = arith.constant 200 : i32
      %mul3A_173 = arith.muli %scan3A_171, %mul3A_172 : i32
      "tpu.region"() ({
        %run_scoped3A = tpu.sem_alloc : memref<!tpu.dma_semaphore, #tpu.memory_space<semaphore_mem>>
        %dma_start3A = tpu.memref_slice %arg2[%mul3A_173, %mul3A_2] : memref<1000x4096xf32, #tpu.memory_space<hbm>> -> memref<200x128xf32, #tpu.memory_space<hbm>>
        %dma_start3A_181 = tpu.memref_slice %arg2[%mul3A_173, %mul3A_2] : memref<1000x4096xf32, #tpu.memory_space<hbm>> -> memref<200x128xf32, #tpu.memory_space<hbm>>
        tpu.enqueue_dma source(%dma_start3A_181 : memref<200x128xf32, #tpu.memory_space<hbm>>) target(%arg5 : memref<200x128xf32, #tpu.memory_space<vmem>>) target_semaphore(%run_scoped3A : memref<!tpu.dma_semaphore, #tpu.memory_space<semaphore_mem>>)
        %dma_wait3A = tpu.memref_slice %arg2[%mul3A_173, %mul3A_2] : memref<1000x4096xf32, #tpu.memory_space<hbm>> -> memref<200x128xf32, #tpu.memory_space<hbm>>
        %dma_wait3A_182 = tpu.memref_slice %arg2[%mul3A_173, %mul3A_2] : memref<1000x4096xf32, #tpu.memory_space<hbm>> -> memref<200x128xf32, #tpu.memory_space<hbm>>
        tpu.wait_dma2 semaphore(%run_scoped3A : memref<!tpu.dma_semaphore, #tpu.memory_space<semaphore_mem>>) src(%dma_wait3A_182 : memref<200x128xf32, #tpu.memory_space<hbm>>) dst(%arg5 : memref<200x128xf32, #tpu.memory_space<vmem>>)
        tpu.yield
      }) : () -> ()
      %mul3A_174 = arith.constant 200 : i32
      %mul3A_175 = arith.muli %scan3A_171, %mul3A_174 : i32
      "tpu.region"() ({
        %run_scoped3A = tpu.sem_alloc : memref<!tpu.dma_semaphore, #tpu.memory_space<semaphore_mem>>
        %dma_start3A = tpu.memref_slice %arg3[%mul3A_175, %mul3A_2] : memref<1000x4096xf32, #tpu.memory_space<hbm>> -> memref<200x128xf32, #tpu.memory_space<hbm>>
        %dma_start3A_181 = tpu.memref_slice %arg3[%mul3A_175, %mul3A_2] : memref<1000x4096xf32, #tpu.memory_space<hbm>> -> memref<200x128xf32, #tpu.memory_space<hbm>>
        tpu.enqueue_dma source(%dma_start3A_181 : memref<200x128xf32, #tpu.memory_space<hbm>>) target(%arg6 : memref<200x128xf32, #tpu.memory_space<vmem>>) target_semaphore(%run_scoped3A : memref<!tpu.dma_semaphore, #tpu.memory_space<semaphore_mem>>)
        %dma_wait3A = tpu.memref_slice %arg3[%mul3A_175, %mul3A_2] : memref<1000x4096xf32, #tpu.memory_space<hbm>> -> memref<200x128xf32, #tpu.memory_space<hbm>>
        %dma_wait3A_182 = tpu.memref_slice %arg3[%mul3A_175, %mul3A_2] : memref<1000x4096xf32, #tpu.memory_space<hbm>> -> memref<200x128xf32, #tpu.memory_space<hbm>>
        tpu.wait_dma2 semaphore(%run_scoped3A : memref<!tpu.dma_semaphore, #tpu.memory_space<semaphore_mem>>) src(%dma_wait3A_182 : memref<200x128xf32, #tpu.memory_space<hbm>>) dst(%arg6 : memref<200x128xf32, #tpu.memory_space<vmem>>)
        tpu.yield
      }) : () -> ()
      %scan3A_176 = arith.constant 0 : i32
      %scan3A_177 = arith.constant 200 : i32
      %scan3A_178 = arith.addi %scan3A_176, %scan3A_177 : i32
      %scan3A_179 = arith.constant 1 : i32
      scf.for %scan3A_181 = %scan3A_176 to %scan3A_178 step %scan3A_179  : i32 {
        %get3A_182 = arith.index_cast %scan3A_181 : i32 to index
        %get3A_183 = arith.constant 0 : index
        %get3A_184 = tpu.vector_load %arg5[%get3A_182, %get3A_183] {strides = array<i32>} : memref<200x128xf32, #tpu.memory_space<vmem>>, vector<1x16xf32>,
        %get3A_185 = vector.shape_cast %get3A_184 : vector<1x16xf32> to vector<16xf32>
        %get3A_186 = arith.index_cast %scan3A_181 : i32 to index
        %get3A_187 = arith.constant 0 : index
        %get3A_188 = tpu.vector_load %arg6[%get3A_186, %get3A_187] {strides = array<i32>} : memref<200x128xf32, #tpu.memory_space<vmem>>, vector<1x16xf32>,
        %get3A_189 = vector.shape_cast %get3A_188 : vector<1x16xf32> to vector<16xf32>
        %gt3A = arith.constant 0.000000e+00 : f32
        %gt3A_190 = vector.broadcast %gt3A : f32 to vector<16xf32>
        %gt3A_191 = arith.cmpf ogt, %get3A_189, %gt3A_190 : vector<16xf32>
        %select_n3A_192 = arith.select %gt3A_191, %get3A_185, %broadcast_in_dim3A_3 : vector<16xi1>, vector<16xf32>
        %get3A_193 = arith.constant 0 : index
        %get3A_194 = tpu.vector_load %arg7[%get3A_193] {strides = array<i32>} : memref<128xf32, #tpu.memory_space<vmem>>, vector<16xf32>,
        %get3A_195 = vector.shape_cast %get3A_194 : vector<16xf32> to vector<16xf32>
        %min3A = arith.minimumf %get3A_195, %select_n3A_192 : vector<16xf32>
        %swap3A_196 = arith.constant 0 : index
        %swap3A_197 = tpu.vector_load %arg7[%swap3A_196] {strides = array<i32>} : memref<128xf32, #tpu.memory_space<vmem>>, vector<16xf32>,
        %swap3A_198 = vector.shape_cast %swap3A_197 : vector<16xf32> to vector<16xf32>
        %swap3A_199 = vector.shape_cast %min3A : vector<16xf32> to vector<16xf32>
        tpu.vector_store %arg7[%swap3A_196], %swap3A_199 {strides = array<i32>} : memref<128xf32, #tpu.memory_space<vmem>>, vector<16xf32>,
        %get3A_200 = arith.index_cast %scan3A_181 : i32 to index
        %get3A_201 = arith.constant 16 : index
        %get3A_202 = tpu.vector_load %arg5[%get3A_200, %get3A_201] {strides = array<i32>} : memref<200x128xf32, #tpu.memory_space<vmem>>, vector<1x16xf32>,
        %get3A_203 = vector.shape_cast %get3A_202 : vector<1x16xf32> to vector<16xf32>
        %get3A_204 = arith.index_cast %scan3A_181 : i32 to index
        %get3A_205 = arith.constant 16 : index
        %get3A_206 = tpu.vector_load %arg6[%get3A_204, %get3A_205] {strides = array<i32>} : memref<200x128xf32, #tpu.memory_space<vmem>>, vector<1x16xf32>,
        %get3A_207 = vector.shape_cast %get3A_206 : vector<1x16xf32> to vector<16xf32>
        %gt3A_208 = arith.constant 0.000000e+00 : f32
        %gt3A_209 = vector.broadcast %gt3A_208 : f32 to vector<16xf32>
        %gt3A_210 = arith.cmpf ogt, %get3A_207, %gt3A_209 : vector<16xf32>
        %select_n3A_211 = arith.select %gt3A_210, %get3A_203, %broadcast_in_dim3A_3 : vector<16xi1>, vector<16xf32>
        %get3A_212 = arith.constant 16 : index
        %get3A_213 = tpu.vector_load %arg7[%get3A_212] {strides = array<i32>} : memref<128xf32, #tpu.memory_space<vmem>>, vector<16xf32>,
        %get3A_214 = vector.shape_cast %get3A_213 : vector<16xf32> to vector<16xf32>
        %min3A_215 = arith.minimumf %get3A_214, %select_n3A_211 : vector<16xf32>
        %swap3A_216 = arith.constant 16 : index
        %swap3A_217 = tpu.vector_load %arg7[%swap3A_216] {strides = array<i32>} : memref<128xf32, #tpu.memory_space<vmem>>, vector<16xf32>,
        %swap3A_218 = vector.shape_cast %swap3A_217 : vector<16xf32> to vector<16xf32>
        %swap3A_219 = vector.shape_cast %min3A_215 : vector<16xf32> to vector<16xf32>
        tpu.vector_store %arg7[%swap3A_216], %swap3A_219 {strides = array<i32>} : memref<128xf32, #tpu.memory_space<vmem>>, vector<16xf32>,
        %get3A_220 = arith.index_cast %scan3A_181 : i32 to index
        %get3A_221 = arith.constant 32 : index
        %get3A_222 = tpu.vector_load %arg5[%get3A_220, %get3A_221] {strides = array<i32>} : memref<200x128xf32, #tpu.memory_space<vmem>>, vector<1x16xf32>,
        %get3A_223 = vector.shape_cast %get3A_222 : vector<1x16xf32> to vector<16xf32>
        %get3A_224 = arith.index_cast %scan3A_181 : i32 to index
        %get3A_225 = arith.constant 32 : index
        %get3A_226 = tpu.vector_load %arg6[%get3A_224, %get3A_225] {strides = array<i32>} : memref<200x128xf32, #tpu.memory_space<vmem>>, vector<1x16xf32>,
        %get3A_227 = vector.shape_cast %get3A_226 : vector<1x16xf32> to vector<16xf32>
        %gt3A_228 = arith.constant 0.000000e+00 : f32
        %gt3A_229 = vector.broadcast %gt3A_228 : f32 to vector<16xf32>
        %gt3A_230 = arith.cmpf ogt, %get3A_227, %gt3A_229 : vector<16xf32>
        %select_n3A_231 = arith.select %gt3A_230, %get3A_223, %broadcast_in_dim3A_3 : vector<16xi1>, vector<16xf32>
        %get3A_232 = arith.constant 32 : index
        %get3A_233 = tpu.vector_load %arg7[%get3A_232] {strides = array<i32>} : memref<128xf32, #tpu.memory_space<vmem>>, vector<16xf32>,
        %get3A_234 = vector.shape_cast %get3A_233 : vector<16xf32> to vector<16xf32>
        %min3A_235 = arith.minimumf %get3A_234, %select_n3A_231 : vector<16xf32>
        %swap3A_236 = arith.constant 32 : index
        %swap3A_237 = tpu.vector_load %arg7[%swap3A_236] {strides = array<i32>} : memref<128xf32, #tpu.memory_space<vmem>>, vector<16xf32>,
        %swap3A_238 = vector.shape_cast %swap3A_237 : vector<16xf32> to vector<16xf32>
        %swap3A_239 = vector.shape_cast %min3A_235 : vector<16xf32> to vector<16xf32>
        tpu.vector_store %arg7[%swap3A_236], %swap3A_239 {strides = array<i32>} : memref<128xf32, #tpu.memory_space<vmem>>, vector<16xf32>,
        %get3A_240 = arith.index_cast %scan3A_181 : i32 to index
        %get3A_241 = arith.constant 48 : index
        %get3A_242 = tpu.vector_load %arg5[%get3A_240, %get3A_241] {strides = array<i32>} : memref<200x128xf32, #tpu.memory_space<vmem>>, vector<1x16xf32>,
        %get3A_243 = vector.shape_cast %get3A_242 : vector<1x16xf32> to vector<16xf32>
        %get3A_244 = arith.index_cast %scan3A_181 : i32 to index
        %get3A_245 = arith.constant 48 : index
        %get3A_246 = tpu.vector_load %arg6[%get3A_244, %get3A_245] {strides = array<i32>} : memref<200x128xf32, #tpu.memory_space<vmem>>, vector<1x16xf32>,
        %get3A_247 = vector.shape_cast %get3A_246 : vector<1x16xf32> to vector<16xf32>
        %gt3A_248 = arith.constant 0.000000e+00 : f32
        %gt3A_249 = vector.broadcast %gt3A_248 : f32 to vector<16xf32>
        %gt3A_250 = arith.cmpf ogt, %get3A_247, %gt3A_249 : vector<16xf32>
        %select_n3A_251 = arith.select %gt3A_250, %get3A_243, %broadcast_in_dim3A_3 : vector<16xi1>, vector<16xf32>
        %get3A_252 = arith.constant 48 : index
        %get3A_253 = tpu.vector_load %arg7[%get3A_252] {strides = array<i32>} : memref<128xf32, #tpu.memory_space<vmem>>, vector<16xf32>,
        %get3A_254 = vector.shape_cast %get3A_253 : vector<16xf32> to vector<16xf32>
        %min3A_255 = arith.minimumf %get3A_254, %select_n3A_251 : vector<16xf32>
        %swap3A_256 = arith.constant 48 : index
        %swap3A_257 = tpu.vector_load %arg7[%swap3A_256] {strides = array<i32>} : memref<128xf32, #tpu.memory_space<vmem>>, vector<16xf32>,
        %swap3A_258 = vector.shape_cast %swap3A_257 : vector<16xf32> to vector<16xf32>
        %swap3A_259 = vector.shape_cast %min3A_255 : vector<16xf32> to vector<16xf32>
        tpu.vector_store %arg7[%swap3A_256], %swap3A_259 {strides = array<i32>} : memref<128xf32, #tpu.memory_space<vmem>>, vector<16xf32>,
        %get3A_260 = arith.index_cast %scan3A_181 : i32 to index
        %get3A_261 = arith.constant 64 : index
        %get3A_262 = tpu.vector_load %arg5[%get3A_260, %get3A_261] {strides = array<i32>} : memref<200x128xf32, #tpu.memory_space<vmem>>, vector<1x16xf32>,
        %get3A_263 = vector.shape_cast %get3A_262 : vector<1x16xf32> to vector<16xf32>
        %get3A_264 = arith.index_cast %scan3A_181 : i32 to index
        %get3A_265 = arith.constant 64 : index
        %get3A_266 = tpu.vector_load %arg6[%get3A_264, %get3A_265] {strides = array<i32>} : memref<200x128xf32, #tpu.memory_space<vmem>>, vector<1x16xf32>,
        %get3A_267 = vector.shape_cast %get3A_266 : vector<1x16xf32> to vector<16xf32>
        %gt3A_268 = arith.constant 0.000000e+00 : f32
        %gt3A_269 = vector.broadcast %gt3A_268 : f32 to vector<16xf32>
        %gt3A_270 = arith.cmpf ogt, %get3A_267, %gt3A_269 : vector<16xf32>
        %select_n3A_271 = arith.select %gt3A_270, %get3A_263, %broadcast_in_dim3A_3 : vector<16xi1>, vector<16xf32>
        %get3A_272 = arith.constant 64 : index
        %get3A_273 = tpu.vector_load %arg7[%get3A_272] {strides = array<i32>} : memref<128xf32, #tpu.memory_space<vmem>>, vector<16xf32>,
        %get3A_274 = vector.shape_cast %get3A_273 : vector<16xf32> to vector<16xf32>
        %min3A_275 = arith.minimumf %get3A_274, %select_n3A_271 : vector<16xf32>
        %swap3A_276 = arith.constant 64 : index
        %swap3A_277 = tpu.vector_load %arg7[%swap3A_276] {strides = array<i32>} : memref<128xf32, #tpu.memory_space<vmem>>, vector<16xf32>,
        %swap3A_278 = vector.shape_cast %swap3A_277 : vector<16xf32> to vector<16xf32>
        %swap3A_279 = vector.shape_cast %min3A_275 : vector<16xf32> to vector<16xf32>
        tpu.vector_store %arg7[%swap3A_276], %swap3A_279 {strides = array<i32>} : memref<128xf32, #tpu.memory_space<vmem>>, vector<16xf32>,
        %get3A_280 = arith.index_cast %scan3A_181 : i32 to index
        %get3A_281 = arith.constant 80 : index
        %get3A_282 = tpu.vector_load %arg5[%get3A_280, %get3A_281] {strides = array<i32>} : memref<200x128xf32, #tpu.memory_space<vmem>>, vector<1x16xf32>,
        %get3A_283 = vector.shape_cast %get3A_282 : vector<1x16xf32> to vector<16xf32>
        %get3A_284 = arith.index_cast %scan3A_181 : i32 to index
        %get3A_285 = arith.constant 80 : index
        %get3A_286 = tpu.vector_load %arg6[%get3A_284, %get3A_285] {strides = array<i32>} : memref<200x128xf32, #tpu.memory_space<vmem>>, vector<1x16xf32>,
        %get3A_287 = vector.shape_cast %get3A_286 : vector<1x16xf32> to vector<16xf32>
        %gt3A_288 = arith.constant 0.000000e+00 : f32
        %gt3A_289 = vector.broadcast %gt3A_288 : f32 to vector<16xf32>
        %gt3A_290 = arith.cmpf ogt, %get3A_287, %gt3A_289 : vector<16xf32>
        %select_n3A_291 = arith.select %gt3A_290, %get3A_283, %broadcast_in_dim3A_3 : vector<16xi1>, vector<16xf32>
        %get3A_292 = arith.constant 80 : index
        %get3A_293 = tpu.vector_load %arg7[%get3A_292] {strides = array<i32>} : memref<128xf32, #tpu.memory_space<vmem>>, vector<16xf32>,
        %get3A_294 = vector.shape_cast %get3A_293 : vector<16xf32> to vector<16xf32>
        %min3A_295 = arith.minimumf %get3A_294, %select_n3A_291 : vector<16xf32>
        %swap3A_296 = arith.constant 80 : index
        %swap3A_297 = tpu.vector_load %arg7[%swap3A_296] {strides = array<i32>} : memref<128xf32, #tpu.memory_space<vmem>>, vector<16xf32>,
        %swap3A_298 = vector.shape_cast %swap3A_297 : vector<16xf32> to vector<16xf32>
        %swap3A_299 = vector.shape_cast %min3A_295 : vector<16xf32> to vector<16xf32>
        tpu.vector_store %arg7[%swap3A_296], %swap3A_299 {strides = array<i32>} : memref<128xf32, #tpu.memory_space<vmem>>, vector<16xf32>,
        %get3A_300 = arith.index_cast %scan3A_181 : i32 to index
        %get3A_301 = arith.constant 96 : index
        %get3A_302 = tpu.vector_load %arg5[%get3A_300, %get3A_301] {strides = array<i32>} : memref<200x128xf32, #tpu.memory_space<vmem>>, vector<1x16xf32>,
        %get3A_303 = vector.shape_cast %get3A_302 : vector<1x16xf32> to vector<16xf32>
        %get3A_304 = arith.index_cast %scan3A_181 : i32 to index
        %get3A_305 = arith.constant 96 : index
        %get3A_306 = tpu.vector_load %arg6[%get3A_304, %get3A_305] {strides = array<i32>} : memref<200x128xf32, #tpu.memory_space<vmem>>, vector<1x16xf32>,
        %get3A_307 = vector.shape_cast %get3A_306 : vector<1x16xf32> to vector<16xf32>
        %gt3A_308 = arith.constant 0.000000e+00 : f32
        %gt3A_309 = vector.broadcast %gt3A_308 : f32 to vector<16xf32>
        %gt3A_310 = arith.cmpf ogt, %get3A_307, %gt3A_309 : vector<16xf32>
        %select_n3A_311 = arith.select %gt3A_310, %get3A_303, %broadcast_in_dim3A_3 : vector<16xi1>, vector<16xf32>
        %get3A_312 = arith.constant 96 : index
        %get3A_313 = tpu.vector_load %arg7[%get3A_312] {strides = array<i32>} : memref<128xf32, #tpu.memory_space<vmem>>, vector<16xf32>,
        %get3A_314 = vector.shape_cast %get3A_313 : vector<16xf32> to vector<16xf32>
        %min3A_315 = arith.minimumf %get3A_314, %select_n3A_311 : vector<16xf32>
        %swap3A_316 = arith.constant 96 : index
        %swap3A_317 = tpu.vector_load %arg7[%swap3A_316] {strides = array<i32>} : memref<128xf32, #tpu.memory_space<vmem>>, vector<16xf32>,
        %swap3A_318 = vector.shape_cast %swap3A_317 : vector<16xf32> to vector<16xf32>
        %swap3A_319 = vector.shape_cast %min3A_315 : vector<16xf32> to vector<16xf32>
        tpu.vector_store %arg7[%swap3A_316], %swap3A_319 {strides = array<i32>} : memref<128xf32, #tpu.memory_space<vmem>>, vector<16xf32>,
        %get3A_320 = arith.index_cast %scan3A_181 : i32 to index
        %get3A_321 = arith.constant 112 : index
        %get3A_322 = tpu.vector_load %arg5[%get3A_320, %get3A_321] {strides = array<i32>} : memref<200x128xf32, #tpu.memory_space<vmem>>, vector<1x16xf32>,
        %get3A_323 = vector.shape_cast %get3A_322 : vector<1x16xf32> to vector<16xf32>
        %get3A_324 = arith.index_cast %scan3A_181 : i32 to index
        %get3A_325 = arith.constant 112 : index
        %get3A_326 = tpu.vector_load %arg6[%get3A_324, %get3A_325] {strides = array<i32>} : memref<200x128xf32, #tpu.memory_space<vmem>>, vector<1x16xf32>,
        %get3A_327 = vector.shape_cast %get3A_326 : vector<1x16xf32> to vector<16xf32>
        %gt3A_328 = arith.constant 0.000000e+00 : f32
        %gt3A_329 = vector.broadcast %gt3A_328 : f32 to vector<16xf32>
        %gt3A_330 = arith.cmpf ogt, %get3A_327, %gt3A_329 : vector<16xf32>
        %select_n3A_331 = arith.select %gt3A_330, %get3A_323, %broadcast_in_dim3A_3 : vector<16xi1>, vector<16xf32>
        %get3A_332 = arith.constant 112 : index
        %get3A_333 = tpu.vector_load %arg7[%get3A_332] {strides = array<i32>} : memref<128xf32, #tpu.memory_space<vmem>>, vector<16xf32>,
        %get3A_334 = vector.shape_cast %get3A_333 : vector<16xf32> to vector<16xf32>
        %min3A_335 = arith.minimumf %get3A_334, %select_n3A_331 : vector<16xf32>
        %swap3A_336 = arith.constant 112 : index
        %swap3A_337 = tpu.vector_load %arg7[%swap3A_336] {strides = array<i32>} : memref<128xf32, #tpu.memory_space<vmem>>, vector<16xf32>,
        %swap3A_338 = vector.shape_cast %swap3A_337 : vector<16xf32> to vector<16xf32>
        %swap3A_339 = vector.shape_cast %min3A_335 : vector<16xf32> to vector<16xf32>
        tpu.vector_store %arg7[%swap3A_336], %swap3A_339 {strides = array<i32>} : memref<128xf32, #tpu.memory_space<vmem>>, vector<16xf32>,
      }
      %scan3A_180 = arith.constant 200 : i32
    }
    %scan3A_75 = arith.constant 5 : i32
    %scan3A_76 = arith.constant 0 : i32
    %scan3A_77 = arith.constant 0 : i32
    %scan3A_78 = arith.constant 5 : i32
    %scan3A_79 = arith.addi %scan3A_77, %scan3A_78 : i32
    %scan3A_80 = arith.constant 1 : i32
    scf.for %scan3A_171 = %scan3A_77 to %scan3A_79 step %scan3A_80  : i32 {
      %mul3A_172 = arith.constant 200 : i32
      %mul3A_173 = arith.muli %scan3A_171, %mul3A_172 : i32
      "tpu.region"() ({
        %run_scoped3A = tpu.sem_alloc : memref<!tpu.dma_semaphore, #tpu.memory_space<semaphore_mem>>
        %dma_start3A = tpu.memref_slice %arg2[%mul3A_173, %mul3A_2] : memref<1000x4096xf32, #tpu.memory_space<hbm>> -> memref<200x128xf32, #tpu.memory_space<hbm>>
        %dma_start3A_179 = tpu.memref_slice %arg2[%mul3A_173, %mul3A_2] : memref<1000x4096xf32, #tpu.memory_space<hbm>> -> memref<200x128xf32, #tpu.memory_space<hbm>>
        tpu.enqueue_dma source(%dma_start3A_179 : memref<200x128xf32, #tpu.memory_space<hbm>>) target(%arg5 : memref<200x128xf32, #tpu.memory_space<vmem>>) target_semaphore(%run_scoped3A : memref<!tpu.dma_semaphore, #tpu.memory_space<semaphore_mem>>)
        %dma_wait3A = tpu.memref_slice %arg2[%mul3A_173, %mul3A_2] : memref<1000x4096xf32, #tpu.memory_space<hbm>> -> memref<200x128xf32, #tpu.memory_space<hbm>>
        %dma_wait3A_180 = tpu.memref_slice %arg2[%mul3A_173, %mul3A_2] : memref<1000x4096xf32, #tpu.memory_space<hbm>> -> memref<200x128xf32, #tpu.memory_space<hbm>>
        tpu.wait_dma2 semaphore(%run_scoped3A : memref<!tpu.dma_semaphore, #tpu.memory_space<semaphore_mem>>) src(%dma_wait3A_180 : memref<200x128xf32, #tpu.memory_space<hbm>>) dst(%arg5 : memref<200x128xf32, #tpu.memory_space<vmem>>)
        tpu.yield
      }) : () -> ()
      %scan3A_174 = arith.constant 0 : i32
      %scan3A_175 = arith.constant 200 : i32
      %scan3A_176 = arith.addi %scan3A_174, %scan3A_175 : i32
      %scan3A_177 = arith.constant 1 : i32
      scf.for %scan3A_179 = %scan3A_174 to %scan3A_176 step %scan3A_177  : i32 {
        %get3A_180 = arith.index_cast %scan3A_179 : i32 to index
        %get3A_181 = arith.constant 0 : index
        %get3A_182 = tpu.vector_load %arg5[%get3A_180, %get3A_181] {strides = array<i32>} : memref<200x128xf32, #tpu.memory_space<vmem>>, vector<1x16xf32>,
        %get3A_183 = vector.shape_cast %get3A_182 : vector<1x16xf32> to vector<16xf32>
        %get3A_184 = arith.constant 0 : index
        %get3A_185 = tpu.vector_load %arg7[%get3A_184] {strides = array<i32>} : memref<128xf32, #tpu.memory_space<vmem>>, vector<16xf32>,
        %get3A_186 = vector.shape_cast %get3A_185 : vector<16xf32> to vector<16xf32>
        %ge3A = arith.cmpf oge, %get3A_183, %get3A_186 : vector<16xf32>
        %get3A_187 = arith.constant 0 : index
        %get3A_188 = tpu.vector_load %arg8[%get3A_187] {strides = array<i32>} : memref<128xf32, #tpu.memory_space<vmem>>, vector<16xf32>,
        %get3A_189 = vector.shape_cast %get3A_188 : vector<16xf32> to vector<16xf32>
        %select_n3A_190 = arith.select %ge3A, %broadcast_in_dim3A_7, %broadcast_in_dim3A_5 : vector<16xi1>, vector<16xf32>
        %add3A_191 = arith.addf %get3A_189, %select_n3A_190 : vector<16xf32>
        %swap3A_192 = arith.constant 0 : index
        %swap3A_193 = tpu.vector_load %arg8[%swap3A_192] {strides = array<i32>} : memref<128xf32, #tpu.memory_space<vmem>>, vector<16xf32>,
        %swap3A_194 = vector.shape_cast %swap3A_193 : vector<16xf32> to vector<16xf32>
        %swap3A_195 = vector.shape_cast %add3A_191 : vector<16xf32> to vector<16xf32>
        tpu.vector_store %arg8[%swap3A_192], %swap3A_195 {strides = array<i32>} : memref<128xf32, #tpu.memory_space<vmem>>, vector<16xf32>,
        %get3A_196 = arith.index_cast %scan3A_179 : i32 to index
        %get3A_197 = arith.constant 16 : index
        %get3A_198 = tpu.vector_load %arg5[%get3A_196, %get3A_197] {strides = array<i32>} : memref<200x128xf32, #tpu.memory_space<vmem>>, vector<1x16xf32>,
        %get3A_199 = vector.shape_cast %get3A_198 : vector<1x16xf32> to vector<16xf32>
        %get3A_200 = arith.constant 16 : index
        %get3A_201 = tpu.vector_load %arg7[%get3A_200] {strides = array<i32>} : memref<128xf32, #tpu.memory_space<vmem>>, vector<16xf32>,
        %get3A_202 = vector.shape_cast %get3A_201 : vector<16xf32> to vector<16xf32>
        %ge3A_203 = arith.cmpf oge, %get3A_199, %get3A_202 : vector<16xf32>
        %get3A_204 = arith.constant 16 : index
        %get3A_205 = tpu.vector_load %arg8[%get3A_204] {strides = array<i32>} : memref<128xf32, #tpu.memory_space<vmem>>, vector<16xf32>,
        %get3A_206 = vector.shape_cast %get3A_205 : vector<16xf32> to vector<16xf32>
        %select_n3A_207 = arith.select %ge3A_203, %broadcast_in_dim3A_7, %broadcast_in_dim3A_5 : vector<16xi1>, vector<16xf32>
        %add3A_208 = arith.addf %get3A_206, %select_n3A_207 : vector<16xf32>
        %swap3A_209 = arith.constant 16 : index
        %swap3A_210 = tpu.vector_load %arg8[%swap3A_209] {strides = array<i32>} : memref<128xf32, #tpu.memory_space<vmem>>, vector<16xf32>,
        %swap3A_211 = vector.shape_cast %swap3A_210 : vector<16xf32> to vector<16xf32>
        %swap3A_212 = vector.shape_cast %add3A_208 : vector<16xf32> to vector<16xf32>
        tpu.vector_store %arg8[%swap3A_209], %swap3A_212 {strides = array<i32>} : memref<128xf32, #tpu.memory_space<vmem>>, vector<16xf32>,
        %get3A_213 = arith.index_cast %scan3A_179 : i32 to index
        %get3A_214 = arith.constant 32 : index
        %get3A_215 = tpu.vector_load %arg5[%get3A_213, %get3A_214] {strides = array<i32>} : memref<200x128xf32, #tpu.memory_space<vmem>>, vector<1x16xf32>,
        %get3A_216 = vector.shape_cast %get3A_215 : vector<1x16xf32> to vector<16xf32>
        %get3A_217 = arith.constant 32 : index
        %get3A_218 = tpu.vector_load %arg7[%get3A_217] {strides = array<i32>} : memref<128xf32, #tpu.memory_space<vmem>>, vector<16xf32>,
        %get3A_219 = vector.shape_cast %get3A_218 : vector<16xf32> to vector<16xf32>
        %ge3A_220 = arith.cmpf oge, %get3A_216, %get3A_219 : vector<16xf32>
        %get3A_221 = arith.constant 32 : index
        %get3A_222 = tpu.vector_load %arg8[%get3A_221] {strides = array<i32>} : memref<128xf32, #tpu.memory_space<vmem>>, vector<16xf32>,
        %get3A_223 = vector.shape_cast %get3A_222 : vector<16xf32> to vector<16xf32>
        %select_n3A_224 = arith.select %ge3A_220, %broadcast_in_dim3A_7, %broadcast_in_dim3A_5 : vector<16xi1>, vector<16xf32>
        %add3A_225 = arith.addf %get3A_223, %select_n3A_224 : vector<16xf32>
        %swap3A_226 = arith.constant 32 : index
        %swap3A_227 = tpu.vector_load %arg8[%swap3A_226] {strides = array<i32>} : memref<128xf32, #tpu.memory_space<vmem>>, vector<16xf32>,
        %swap3A_228 = vector.shape_cast %swap3A_227 : vector<16xf32> to vector<16xf32>
        %swap3A_229 = vector.shape_cast %add3A_225 : vector<16xf32> to vector<16xf32>
        tpu.vector_store %arg8[%swap3A_226], %swap3A_229 {strides = array<i32>} : memref<128xf32, #tpu.memory_space<vmem>>, vector<16xf32>,
        %get3A_230 = arith.index_cast %scan3A_179 : i32 to index
        %get3A_231 = arith.constant 48 : index
        %get3A_232 = tpu.vector_load %arg5[%get3A_230, %get3A_231] {strides = array<i32>} : memref<200x128xf32, #tpu.memory_space<vmem>>, vector<1x16xf32>,
        %get3A_233 = vector.shape_cast %get3A_232 : vector<1x16xf32> to vector<16xf32>
        %get3A_234 = arith.constant 48 : index
        %get3A_235 = tpu.vector_load %arg7[%get3A_234] {strides = array<i32>} : memref<128xf32, #tpu.memory_space<vmem>>, vector<16xf32>,
        %get3A_236 = vector.shape_cast %get3A_235 : vector<16xf32> to vector<16xf32>
        %ge3A_237 = arith.cmpf oge, %get3A_233, %get3A_236 : vector<16xf32>
        %get3A_238 = arith.constant 48 : index
        %get3A_239 = tpu.vector_load %arg8[%get3A_238] {strides = array<i32>} : memref<128xf32, #tpu.memory_space<vmem>>, vector<16xf32>,
        %get3A_240 = vector.shape_cast %get3A_239 : vector<16xf32> to vector<16xf32>
        %select_n3A_241 = arith.select %ge3A_237, %broadcast_in_dim3A_7, %broadcast_in_dim3A_5 : vector<16xi1>, vector<16xf32>
        %add3A_242 = arith.addf %get3A_240, %select_n3A_241 : vector<16xf32>
        %swap3A_243 = arith.constant 48 : index
        %swap3A_244 = tpu.vector_load %arg8[%swap3A_243] {strides = array<i32>} : memref<128xf32, #tpu.memory_space<vmem>>, vector<16xf32>,
        %swap3A_245 = vector.shape_cast %swap3A_244 : vector<16xf32> to vector<16xf32>
        %swap3A_246 = vector.shape_cast %add3A_242 : vector<16xf32> to vector<16xf32>
        tpu.vector_store %arg8[%swap3A_243], %swap3A_246 {strides = array<i32>} : memref<128xf32, #tpu.memory_space<vmem>>, vector<16xf32>,
        %get3A_247 = arith.index_cast %scan3A_179 : i32 to index
        %get3A_248 = arith.constant 64 : index
        %get3A_249 = tpu.vector_load %arg5[%get3A_247, %get3A_248] {strides = array<i32>} : memref<200x128xf32, #tpu.memory_space<vmem>>, vector<1x16xf32>,
        %get3A_250 = vector.shape_cast %get3A_249 : vector<1x16xf32> to vector<16xf32>
        %get3A_251 = arith.constant 64 : index
        %get3A_252 = tpu.vector_load %arg7[%get3A_251] {strides = array<i32>} : memref<128xf32, #tpu.memory_space<vmem>>, vector<16xf32>,
        %get3A_253 = vector.shape_cast %get3A_252 : vector<16xf32> to vector<16xf32>
        %ge3A_254 = arith.cmpf oge, %get3A_250, %get3A_253 : vector<16xf32>
        %get3A_255 = arith.constant 64 : index
        %get3A_256 = tpu.vector_load %arg8[%get3A_255] {strides = array<i32>} : memref<128xf32, #tpu.memory_space<vmem>>, vector<16xf32>,
        %get3A_257 = vector.shape_cast %get3A_256 : vector<16xf32> to vector<16xf32>
        %select_n3A_258 = arith.select %ge3A_254, %broadcast_in_dim3A_7, %broadcast_in_dim3A_5 : vector<16xi1>, vector<16xf32>
        %add3A_259 = arith.addf %get3A_257, %select_n3A_258 : vector<16xf32>
        %swap3A_260 = arith.constant 64 : index
        %swap3A_261 = tpu.vector_load %arg8[%swap3A_260] {strides = array<i32>} : memref<128xf32, #tpu.memory_space<vmem>>, vector<16xf32>,
        %swap3A_262 = vector.shape_cast %swap3A_261 : vector<16xf32> to vector<16xf32>
        %swap3A_263 = vector.shape_cast %add3A_259 : vector<16xf32> to vector<16xf32>
        tpu.vector_store %arg8[%swap3A_260], %swap3A_263 {strides = array<i32>} : memref<128xf32, #tpu.memory_space<vmem>>, vector<16xf32>,
        %get3A_264 = arith.index_cast %scan3A_179 : i32 to index
        %get3A_265 = arith.constant 80 : index
        %get3A_266 = tpu.vector_load %arg5[%get3A_264, %get3A_265] {strides = array<i32>} : memref<200x128xf32, #tpu.memory_space<vmem>>, vector<1x16xf32>,
        %get3A_267 = vector.shape_cast %get3A_266 : vector<1x16xf32> to vector<16xf32>
        %get3A_268 = arith.constant 80 : index
        %get3A_269 = tpu.vector_load %arg7[%get3A_268] {strides = array<i32>} : memref<128xf32, #tpu.memory_space<vmem>>, vector<16xf32>,
        %get3A_270 = vector.shape_cast %get3A_269 : vector<16xf32> to vector<16xf32>
        %ge3A_271 = arith.cmpf oge, %get3A_267, %get3A_270 : vector<16xf32>
        %get3A_272 = arith.constant 80 : index
        %get3A_273 = tpu.vector_load %arg8[%get3A_272] {strides = array<i32>} : memref<128xf32, #tpu.memory_space<vmem>>, vector<16xf32>,
        %get3A_274 = vector.shape_cast %get3A_273 : vector<16xf32> to vector<16xf32>
        %select_n3A_275 = arith.select %ge3A_271, %broadcast_in_dim3A_7, %broadcast_in_dim3A_5 : vector<16xi1>, vector<16xf32>
        %add3A_276 = arith.addf %get3A_274, %select_n3A_275 : vector<16xf32>
        %swap3A_277 = arith.constant 80 : index
        %swap3A_278 = tpu.vector_load %arg8[%swap3A_277] {strides = array<i32>} : memref<128xf32, #tpu.memory_space<vmem>>, vector<16xf32>,
        %swap3A_279 = vector.shape_cast %swap3A_278 : vector<16xf32> to vector<16xf32>
        %swap3A_280 = vector.shape_cast %add3A_276 : vector<16xf32> to vector<16xf32>
        tpu.vector_store %arg8[%swap3A_277], %swap3A_280 {strides = array<i32>} : memref<128xf32, #tpu.memory_space<vmem>>, vector<16xf32>,
        %get3A_281 = arith.index_cast %scan3A_179 : i32 to index
        %get3A_282 = arith.constant 96 : index
        %get3A_283 = tpu.vector_load %arg5[%get3A_281, %get3A_282] {strides = array<i32>} : memref<200x128xf32, #tpu.memory_space<vmem>>, vector<1x16xf32>,
        %get3A_284 = vector.shape_cast %get3A_283 : vector<1x16xf32> to vector<16xf32>
        %get3A_285 = arith.constant 96 : index
        %get3A_286 = tpu.vector_load %arg7[%get3A_285] {strides = array<i32>} : memref<128xf32, #tpu.memory_space<vmem>>, vector<16xf32>,
        %get3A_287 = vector.shape_cast %get3A_286 : vector<16xf32> to vector<16xf32>
        %ge3A_288 = arith.cmpf oge, %get3A_284, %get3A_287 : vector<16xf32>
        %get3A_289 = arith.constant 96 : index
        %get3A_290 = tpu.vector_load %arg8[%get3A_289] {strides = array<i32>} : memref<128xf32, #tpu.memory_space<vmem>>, vector<16xf32>,
        %get3A_291 = vector.shape_cast %get3A_290 : vector<16xf32> to vector<16xf32>
        %select_n3A_292 = arith.select %ge3A_288, %broadcast_in_dim3A_7, %broadcast_in_dim3A_5 : vector<16xi1>, vector<16xf32>
        %add3A_293 = arith.addf %get3A_291, %select_n3A_292 : vector<16xf32>
        %swap3A_294 = arith.constant 96 : index
        %swap3A_295 = tpu.vector_load %arg8[%swap3A_294] {strides = array<i32>} : memref<128xf32, #tpu.memory_space<vmem>>, vector<16xf32>,
        %swap3A_296 = vector.shape_cast %swap3A_295 : vector<16xf32> to vector<16xf32>
        %swap3A_297 = vector.shape_cast %add3A_293 : vector<16xf32> to vector<16xf32>
        tpu.vector_store %arg8[%swap3A_294], %swap3A_297 {strides = array<i32>} : memref<128xf32, #tpu.memory_space<vmem>>, vector<16xf32>,
        %get3A_298 = arith.index_cast %scan3A_179 : i32 to index
        %get3A_299 = arith.constant 112 : index
        %get3A_300 = tpu.vector_load %arg5[%get3A_298, %get3A_299] {strides = array<i32>} : memref<200x128xf32, #tpu.memory_space<vmem>>, vector<1x16xf32>,
        %get3A_301 = vector.shape_cast %get3A_300 : vector<1x16xf32> to vector<16xf32>
        %get3A_302 = arith.constant 112 : index
        %get3A_303 = tpu.vector_load %arg7[%get3A_302] {strides = array<i32>} : memref<128xf32, #tpu.memory_space<vmem>>, vector<16xf32>,
        %get3A_304 = vector.shape_cast %get3A_303 : vector<16xf32> to vector<16xf32>
        %ge3A_305 = arith.cmpf oge, %get3A_301, %get3A_304 : vector<16xf32>
        %get3A_306 = arith.constant 112 : index
        %get3A_307 = tpu.vector_load %arg8[%get3A_306] {strides = array<i32>} : memref<128xf32, #tpu.memory_space<vmem>>, vector<16xf32>,
        %get3A_308 = vector.shape_cast %get3A_307 : vector<16xf32> to vector<16xf32>
        %select_n3A_309 = arith.select %ge3A_305, %broadcast_in_dim3A_7, %broadcast_in_dim3A_5 : vector<16xi1>, vector<16xf32>
        %add3A_310 = arith.addf %get3A_308, %select_n3A_309 : vector<16xf32>
        %swap3A_311 = arith.constant 112 : index
        %swap3A_312 = tpu.vector_load %arg8[%swap3A_311] {strides = array<i32>} : memref<128xf32, #tpu.memory_space<vmem>>, vector<16xf32>,
        %swap3A_313 = vector.shape_cast %swap3A_312 : vector<16xf32> to vector<16xf32>
        %swap3A_314 = vector.shape_cast %add3A_310 : vector<16xf32> to vector<16xf32>
        tpu.vector_store %arg8[%swap3A_311], %swap3A_314 {strides = array<i32>} : memref<128xf32, #tpu.memory_space<vmem>>, vector<16xf32>,
      }
      %scan3A_178 = arith.constant 200 : i32
    }
    %scan3A_81 = arith.constant 5 : i32
    %get3A = arith.constant 0 : index
    %get3A_82 = tpu.vector_load %arg7[%get3A] {strides = array<i32>} : memref<128xf32, #tpu.memory_space<vmem>>, vector<16xf32>,
    %get3A_83 = vector.shape_cast %get3A_82 : vector<16xf32> to vector<16xf32>
    %lt3A = arith.constant 0x7F800000 : f32
    %lt3A_84 = vector.broadcast %lt3A : f32 to vector<16xf32>
    %lt3A_85 = arith.cmpf olt, %get3A_83, %lt3A_84 : vector<16xf32>
    %get3A_86 = arith.constant 0 : index
    %get3A_87 = tpu.vector_load %arg8[%get3A_86] {strides = array<i32>} : memref<128xf32, #tpu.memory_space<vmem>>, vector<16xf32>,
    %get3A_88 = vector.shape_cast %get3A_87 : vector<16xf32> to vector<16xf32>
    %select_n3A = arith.select %lt3A_85, %get3A_88, %broadcast_in_dim3A_5 : vector<16xi1>, vector<16xf32>
    %add3A_89 = arith.addf %broadcast_in_dim3A_5, %select_n3A : vector<16xf32>
    %get3A_90 = arith.constant 16 : index
    %get3A_91 = tpu.vector_load %arg7[%get3A_90] {strides = array<i32>} : memref<128xf32, #tpu.memory_space<vmem>>, vector<16xf32>,
    %get3A_92 = vector.shape_cast %get3A_91 : vector<16xf32> to vector<16xf32>
    %lt3A_93 = arith.constant 0x7F800000 : f32
    %lt3A_94 = vector.broadcast %lt3A_93 : f32 to vector<16xf32>
    %lt3A_95 = arith.cmpf olt, %get3A_92, %lt3A_94 : vector<16xf32>
    %get3A_96 = arith.constant 16 : index
    %get3A_97 = tpu.vector_load %arg8[%get3A_96] {strides = array<i32>} : memref<128xf32, #tpu.memory_space<vmem>>, vector<16xf32>,
    %get3A_98 = vector.shape_cast %get3A_97 : vector<16xf32> to vector<16xf32>
    %select_n3A_99 = arith.select %lt3A_95, %get3A_98, %broadcast_in_dim3A_5 : vector<16xi1>, vector<16xf32>
    %add3A_100 = arith.addf %add3A_89, %select_n3A_99 : vector<16xf32>
    %get3A_101 = arith.constant 32 : index
    %get3A_102 = tpu.vector_load %arg7[%get3A_101] {strides = array<i32>} : memref<128xf32, #tpu.memory_space<vmem>>, vector<16xf32>,
    %get3A_103 = vector.shape_cast %get3A_102 : vector<16xf32> to vector<16xf32>
    %lt3A_104 = arith.constant 0x7F800000 : f32
    %lt3A_105 = vector.broadcast %lt3A_104 : f32 to vector<16xf32>
    %lt3A_106 = arith.cmpf olt, %get3A_103, %lt3A_105 : vector<16xf32>
    %get3A_107 = arith.constant 32 : index
    %get3A_108 = tpu.vector_load %arg8[%get3A_107] {strides = array<i32>} : memref<128xf32, #tpu.memory_space<vmem>>, vector<16xf32>,
    %get3A_109 = vector.shape_cast %get3A_108 : vector<16xf32> to vector<16xf32>
    %select_n3A_110 = arith.select %lt3A_106, %get3A_109, %broadcast_in_dim3A_5 : vector<16xi1>, vector<16xf32>
    %add3A_111 = arith.addf %add3A_100, %select_n3A_110 : vector<16xf32>
    %get3A_112 = arith.constant 48 : index
    %get3A_113 = tpu.vector_load %arg7[%get3A_112] {strides = array<i32>} : memref<128xf32, #tpu.memory_space<vmem>>, vector<16xf32>,
    %get3A_114 = vector.shape_cast %get3A_113 : vector<16xf32> to vector<16xf32>
    %lt3A_115 = arith.constant 0x7F800000 : f32
    %lt3A_116 = vector.broadcast %lt3A_115 : f32 to vector<16xf32>
    %lt3A_117 = arith.cmpf olt, %get3A_114, %lt3A_116 : vector<16xf32>
    %get3A_118 = arith.constant 48 : index
    %get3A_119 = tpu.vector_load %arg8[%get3A_118] {strides = array<i32>} : memref<128xf32, #tpu.memory_space<vmem>>, vector<16xf32>,
    %get3A_120 = vector.shape_cast %get3A_119 : vector<16xf32> to vector<16xf32>
    %select_n3A_121 = arith.select %lt3A_117, %get3A_120, %broadcast_in_dim3A_5 : vector<16xi1>, vector<16xf32>
    %add3A_122 = arith.addf %add3A_111, %select_n3A_121 : vector<16xf32>
    %get3A_123 = arith.constant 64 : index
    %get3A_124 = tpu.vector_load %arg7[%get3A_123] {strides = array<i32>} : memref<128xf32, #tpu.memory_space<vmem>>, vector<16xf32>,
    %get3A_125 = vector.shape_cast %get3A_124 : vector<16xf32> to vector<16xf32>
    %lt3A_126 = arith.constant 0x7F800000 : f32
    %lt3A_127 = vector.broadcast %lt3A_126 : f32 to vector<16xf32>
    %lt3A_128 = arith.cmpf olt, %get3A_125, %lt3A_127 : vector<16xf32>
    %get3A_129 = arith.constant 64 : index
    %get3A_130 = tpu.vector_load %arg8[%get3A_129] {strides = array<i32>} : memref<128xf32, #tpu.memory_space<vmem>>, vector<16xf32>,
    %get3A_131 = vector.shape_cast %get3A_130 : vector<16xf32> to vector<16xf32>
    %select_n3A_132 = arith.select %lt3A_128, %get3A_131, %broadcast_in_dim3A_5 : vector<16xi1>, vector<16xf32>
    %add3A_133 = arith.addf %add3A_122, %select_n3A_132 : vector<16xf32>
    %get3A_134 = arith.constant 80 : index
    %get3A_135 = tpu.vector_load %arg7[%get3A_134] {strides = array<i32>} : memref<128xf32, #tpu.memory_space<vmem>>, vector<16xf32>,
    %get3A_136 = vector.shape_cast %get3A_135 : vector<16xf32> to vector<16xf32>
    %lt3A_137 = arith.constant 0x7F800000 : f32
    %lt3A_138 = vector.broadcast %lt3A_137 : f32 to vector<16xf32>
    %lt3A_139 = arith.cmpf olt, %get3A_136, %lt3A_138 : vector<16xf32>
    %get3A_140 = arith.constant 80 : index
    %get3A_141 = tpu.vector_load %arg8[%get3A_140] {strides = array<i32>} : memref<128xf32, #tpu.memory_space<vmem>>, vector<16xf32>,
    %get3A_142 = vector.shape_cast %get3A_141 : vector<16xf32> to vector<16xf32>
    %select_n3A_143 = arith.select %lt3A_139, %get3A_142, %broadcast_in_dim3A_5 : vector<16xi1>, vector<16xf32>
    %add3A_144 = arith.addf %add3A_133, %select_n3A_143 : vector<16xf32>
    %get3A_145 = arith.constant 96 : index
    %get3A_146 = tpu.vector_load %arg7[%get3A_145] {strides = array<i32>} : memref<128xf32, #tpu.memory_space<vmem>>, vector<16xf32>,
    %get3A_147 = vector.shape_cast %get3A_146 : vector<16xf32> to vector<16xf32>
    %lt3A_148 = arith.constant 0x7F800000 : f32
    %lt3A_149 = vector.broadcast %lt3A_148 : f32 to vector<16xf32>
    %lt3A_150 = arith.cmpf olt, %get3A_147, %lt3A_149 : vector<16xf32>
    %get3A_151 = arith.constant 96 : index
    %get3A_152 = tpu.vector_load %arg8[%get3A_151] {strides = array<i32>} : memref<128xf32, #tpu.memory_space<vmem>>, vector<16xf32>,
    %get3A_153 = vector.shape_cast %get3A_152 : vector<16xf32> to vector<16xf32>
    %select_n3A_154 = arith.select %lt3A_150, %get3A_153, %broadcast_in_dim3A_5 : vector<16xi1>, vector<16xf32>
    %add3A_155 = arith.addf %add3A_144, %select_n3A_154 : vector<16xf32>
    %get3A_156 = arith.constant 112 : index
    %get3A_157 = tpu.vector_load %arg7[%get3A_156] {strides = array<i32>} : memref<128xf32, #tpu.memory_space<vmem>>, vector<16xf32>,
    %get3A_158 = vector.shape_cast %get3A_157 : vector<16xf32> to vector<16xf32>
    %lt3A_159 = arith.constant 0x7F800000 : f32
    %lt3A_160 = vector.broadcast %lt3A_159 : f32 to vector<16xf32>
    %lt3A_161 = arith.cmpf olt, %get3A_158, %lt3A_160 : vector<16xf32>
    %get3A_162 = arith.constant 112 : index
    %get3A_163 = tpu.vector_load %arg8[%get3A_162] {strides = array<i32>} : memref<128xf32, #tpu.memory_space<vmem>>, vector<16xf32>,
    %get3A_164 = vector.shape_cast %get3A_163 : vector<16xf32> to vector<16xf32>
    %select_n3A_165 = arith.select %lt3A_161, %get3A_164, %broadcast_in_dim3A_5 : vector<16xi1>, vector<16xf32>
    %add3A_166 = arith.addf %add3A_155, %select_n3A_165 : vector<16xf32>
    %swap3A_167 = arith.constant 0 : index
    %swap3A_168 = tpu.vector_load %arg9[%swap3A_167] {strides = array<i32>} : memref<16xf32, #tpu.memory_space<vmem>>, vector<16xf32>,
    %swap3A_169 = vector.shape_cast %swap3A_168 : vector<16xf32> to vector<16xf32>
    %swap3A_170 = vector.shape_cast %add3A_166 : vector<16xf32> to vector<16xf32>
    tpu.vector_store %arg9[%swap3A_167], %swap3A_170 {strides = array<i32>} : memref<16xf32, #tpu.memory_space<vmem>>, vector<16xf32>,
    "tpu.region"() ({
      %run_scoped3A = tpu.sem_alloc : memref<!tpu.dma_semaphore, #tpu.memory_space<semaphore_mem>>
      %dma_start3A = arith.constant 0 : i32
      %dma_start3A_171 = tpu.memref_slice %arg4[%add3A, %dma_start3A] : memref<32x16xf32, #tpu.memory_space<hbm>> -> memref<1x16xf32, #tpu.memory_space<hbm>>
      %dma_start3A_172 = tpu.memref_squeeze %dma_start3A_171 : memref<1x16xf32, #tpu.memory_space<hbm>> -> memref<16xf32, #tpu.memory_space<hbm>>
      %dma_start3A_173 = arith.constant 0 : i32
      %dma_start3A_174 = tpu.memref_slice %arg4[%add3A, %dma_start3A_173] : memref<32x16xf32, #tpu.memory_space<hbm>> -> memref<1x16xf32, #tpu.memory_space<hbm>>
      %dma_start3A_175 = tpu.memref_squeeze %dma_start3A_174 : memref<1x16xf32, #tpu.memory_space<hbm>> -> memref<16xf32, #tpu.memory_space<hbm>>
      tpu.enqueue_dma source(%arg9 : memref<16xf32, #tpu.memory_space<vmem>>) target(%dma_start3A_175 : memref<16xf32, #tpu.memory_space<hbm>>) target_semaphore(%run_scoped3A : memref<!tpu.dma_semaphore, #tpu.memory_space<semaphore_mem>>)
      %dma_wait3A = arith.constant 0 : i32
      %dma_wait3A_176 = tpu.memref_slice %arg4[%add3A, %dma_wait3A] : memref<32x16xf32, #tpu.memory_space<hbm>> -> memref<1x16xf32, #tpu.memory_space<hbm>>
      %dma_wait3A_177 = tpu.memref_squeeze %dma_wait3A_176 : memref<1x16xf32, #tpu.memory_space<hbm>> -> memref<16xf32, #tpu.memory_space<hbm>>
      %dma_wait3A_178 = arith.constant 0 : i32
      %dma_wait3A_179 = tpu.memref_slice %arg4[%add3A, %dma_wait3A_178] : memref<32x16xf32, #tpu.memory_space<hbm>> -> memref<1x16xf32, #tpu.memory_space<hbm>>
      %dma_wait3A_180 = tpu.memref_squeeze %dma_wait3A_179 : memref<1x16xf32, #tpu.memory_space<hbm>> -> memref<16xf32, #tpu.memory_space<hbm>>
      tpu.wait_dma2 semaphore(%run_scoped3A : memref<!tpu.dma_semaphore, #tpu.memory_space<semaphore_mem>>) src(%arg9 : memref<16xf32, #tpu.memory_space<vmem>>) dst(%dma_wait3A_180 : memref<16xf32, #tpu.memory_space<hbm>>)
      tpu.yield
    }) : () -> ()
    return
  }
}

</mosaic_0001>

<sc_bundles>
// kernel: kernel.3.cloned.1.call-start
scs
__scs_entry_jumppad:
0x0: {  	(pc) =	sbr.rel $0x88, $3  }
0x1: {  	(tag) =	ssettag $0x0;
	lr =	simm.s32 $0x1  }
0x2: {  	[smem:$0x3F9F] =	sst lr;
	_ =	strace $0xD0000000  }
0x3: {  	_ = 	snop  }
0x4: {  	_ = 	snop  }
0x5: {  	_ = 	snop  }
0x6: {  	_ = 	snop  }
0x7: {  	_ = 	snop  }
__scs_overlays_trampoline_lowered:
0x8: {  	[smem:$0x3FAE] =	sst s0  }
0x9: {  	[smem:$0x3FAF] =	sst s1  }
0xa: {  	[smem:$0x3FB0] =	sst s2  }
0xb: {  	[smem:$0x3FB1] =	sst s3  }
0xc: {  	[smem:$0x3FB2] =	sst s4  }
0xd: {  	[smem:$0x3FB3] =	sst s5  }
0xe: {  	[smem:$0x3FB4] =	sst s6  }
0xf: {  	[smem:$0x3FB5] =	sst s7  }
0x10: {  	[smem:$0x3FB6] =	sst s8  }
0x11: {  	[smem:$0x3FB7] =	sst s9;
	s0 =	simm.s32 @!p0 $0x0  }
0x12: {  	s1 =	sld [smem:$0x3F9D];
	s0 =	simm.s32 @p0 $0x1  }
0x13: {  	[smem:$0x3FB8] =	sst s0;
	s0 =	simm.s32 @!p1 $0x0  }
0x14: {  	s2 =	sld [smem:$0x3F9C];
	s0 =	simm.s32 @p1 $0x1  }
0x15: {  	[smem:$0x3FB9] =	sst s0;
	s0 =	simm.s32 @!p2 $0x0  }
0x16: {  	s3 =	sld [smem:$0x3FDB];
	s0 =	simm.s32 @p2 $0x1  }
0x17: {  	s4 =	simm.s32 $0x1BF5;
	[smem:$0x3FBB] =	sst s0  }
0x18: {  	s0 =	sld [smem:$0x3F9E];
	_ =	swait.ge [sflag:s4], $0x0  }
0x19: {  	s7 =	sld [smem:$0x3F9F]  }
0x1a: {  	s8 =	sadd.s32 $0xFFFFE003, lr  }
0x1b: {  	s9 =	sadd.s32 $0xFFFFFEF7, lr;
	s5 =	simm.s32 $0xFFFFFFFF;
	p2 =	slt.u32 s8, $0xFFFFF086  }
0x1c: {  	p1 =	slt.u32 s9, $0xF7A;
	s5 =	simm.s32 @!p2 $0x0  }
0x1d: {  	s5 =	simm.s32 @p1 $0x1;
	p0 =	seq.s32 s7, s2  }
0x1e: {  	s7 =	smul.u32 @!p0 $0xF7A, s2;
	p2 =	seq.s32 @!p0 s5, $0x0  }
0x1f: {  	s9 =	smul.u32 $0xF7A, s1;
	s8 =	simm.s32 @!p0 $0x1BF5;
	p2 =	por !p2, p0  }
0x20: {  	[sflag:s8] =	ssyncset.s32 @!p0 $0xFFFFF086;
	s6 =	sadd.s32 @!p0 s3, s7;
	s7 =	simm.s32 @!p0 $0x108  }
0x21: {  	s3 =	sadd.s32 s3, s9;
	s6 =	sadd.s32 @!p0 $0x88, s6;
	s7 =	simm.s32 @p2 $0x1082  }
0x22: {  	[simem:s7], [sflag:s8] =	dma.local @!p0 [hbm:s6], $0xF7A  }
0x23: {  	s9 =	sor.u32 $0xD0000000, s2;
	s6 =	simm.s32 $0x108;
	_ =	swait.ge @!p0 [sflag:s8], $0x0  }
0x24: {  	s3 =	sadd.s32 $0x88, s3;
	s6 =	simm.s32 @!p1 $0x1082;
	[sflag:s4] =	ssyncset.s32 $0xFFFFF086  }
0x25: {  	[simem:s6], [sflag:s4] =	dma.local [hbm:s3], $0xF7A  }
0x26: {  	[smem:$0x3F9F] =	sst s1;
	(tag) =	ssettag s2;
	_ =	strace s9  }
0x27: {  	s1 =	sld [smem:$0x3FAF]  }
0x28: {  	s2 =	sld [smem:$0x3FB0]  }
0x29: {  	s4 =	sld [smem:$0x3FB2]  }
0x2a: {  	p0 =	seq.s32 s5, $0x0;
	s5 =	sld [smem:$0x3FB3]  }
0x2b: {  	s6 =	sld [smem:$0x3FB4]  }
0x2c: {  	s7 =	sld [smem:$0x3FB5]  }
0x2d: {  	s3 =	simm.s32 $0x108;
	s8 =	sld [smem:$0x3FB6]  }
0x2e: {  	s3 =	simm.s32 @!p0 $0x1082;
	s9 =	sld [smem:$0x3FB7]  }
0x2f: {  	lr =	sadd.s32 s0, s3;
	s0 =	sld [smem:$0x3FAE]  }
0x30: {  	s3 =	sld [smem:$0x3FB1]  }
0x31: {  	[smem:$0x3FBA] =	sst s10  }
0x32: {  	s10 =	sld [smem:$0x3FB8];
	_ =	sdelay $0x3  }
0x33: {  	p0 =	seq.s32 s10, $0x1;
	s10 =	sld [smem:$0x3FBA];
	_ =	sdelay $0x3  }
0x34: {  	[smem:$0x3FBA] =	sst s10  }
0x35: {  	s10 =	sld [smem:$0x3FB9];
	_ =	sdelay $0x3  }
0x36: {  	p1 =	seq.s32 s10, $0x1;
	s10 =	sld [smem:$0x3FBA];
	_ =	sdelay $0x3  }
0x37: {  	[smem:$0x3FBA] =	sst s10  }
0x38: {  	s10 =	sld [smem:$0x3FBB]  }
0x39: {  	_ = 	snop;
	(pc) =	sbr.ind lr, $3  }
0x3a: {  	_ = 	snop  }
0x3b: {  	_ = 	snop  }
0x3c: {  	p2 =	seq.s32 s10, $0x1;
	s10 =	sld [smem:$0x3FBA]  }
0x3d: {  	_ =	shalt  }
0x3e: {  	_ =	shalt  }
0x3f: {  	_ =	shalt  }
0x40: {  	_ =	shalt  }
0x41: {  	_ =	shalt  }
0x42: {  	_ =	shalt  }
0x43: {  	_ =	shalt  }
0x44: {  	_ =	shalt  }
0x45: {  	_ =	shalt  }
0x46: {  	_ =	shalt  }
0x47: {  	_ =	shalt  }
0x48: {  	_ =	shalt  }
0x49: {  	_ =	shalt  }
0x4a: {  	_ =	shalt  }
0x4b: {  	_ =	shalt  }
0x4c: {  	_ =	shalt  }
0x4d: {  	_ =	shalt  }
0x4e: {  	_ =	shalt  }
0x4f: {  	_ =	shalt  }
0x50: {  	_ =	shalt  }
0x51: {  	_ =	shalt  }
0x52: {  	_ =	shalt  }
0x53: {  	_ =	shalt  }
0x54: {  	_ =	shalt  }
0x55: {  	_ =	shalt  }
0x56: {  	_ =	shalt  }
0x57: {  	_ =	shalt  }
0x58: {  	_ =	shalt  }
0x59: {  	_ =	shalt  }
0x5a: {  	_ =	shalt  }
0x5b: {  	_ =	shalt  }
0x5c: {  	_ =	shalt  }
0x5d: {  	_ =	shalt  }
0x5e: {  	_ =	shalt  }
0x5f: {  	_ =	shalt  }
0x60: {  	_ =	shalt  }
0x61: {  	_ =	shalt  }
0x62: {  	_ =	shalt  }
0x63: {  	_ =	shalt  }
0x64: {  	_ =	shalt  }
0x65: {  	_ =	shalt  }
0x66: {  	_ =	shalt  }
0x67: {  	_ =	shalt  }
0x68: {  	_ =	shalt  }
0x69: {  	_ =	shalt  }
0x6a: {  	_ =	shalt  }
0x6b: {  	_ =	shalt  }
0x6c: {  	_ =	shalt  }
0x6d: {  	_ =	shalt  }
0x6e: {  	_ =	shalt  }
0x6f: {  	_ =	shalt  }
0x70: {  	_ =	shalt  }
0x71: {  	_ =	shalt  }
0x72: {  	_ =	shalt  }
0x73: {  	_ =	shalt  }
0x74: {  	_ =	shalt  }
0x75: {  	_ =	shalt  }
0x76: {  	_ =	shalt  }
0x77: {  	_ =	shalt  }
0x78: {  	_ =	shalt  }
0x79: {  	_ =	shalt  }
0x7a: {  	_ =	shalt  }
0x7b: {  	_ =	shalt  }
0x7c: {  	_ =	shalt  }
0x7d: {  	_ =	shalt  }
0x7e: {  	_ =	shalt  }
0x7f: {  	_ =	shalt  }
0x80: {  	_ =	shalt  }
0x81: {  	_ =	shalt  }
0x82: {  	_ =	shalt  }
0x83: {  	_ =	shalt  }
0x84: {  	_ =	shalt  }
0x85: {  	_ =	shalt  }
0x86: {  	_ =	shalt  }
0x87: {  	_ =	shalt  }
.Lfunc_end0:
.L_simem_size_0:
called_computation_lowered:
.L_overlay_start_0:
0x88: {  	s2 =	sld [smem:$0x3FD9]  }
0x89: {  	s3 =	sld [smem:$0x3FFE];
	_ =	sdelay $0x1  }
0x8a: {  	s1 =	srdreg.scid  }
0x8b: {  	s0 =	sand.u32 $0x1, s1  }
0x8c: {  	s17 =	sshll.u32 s0, $0xA;
	s2 =	sadd.s32 s3, s2  }
0x8d: {  	s2 =	sadd.s32 s2, s17  }
0x8e: {  	[smem:$0x3FC6] =	sst s2  }
0x8f: {  	_ = 	snop  }
0x90: {  	s2 =	sld [smem:$0x3FC9]  }
0x91: {  	s18 =	sld [smem:$0x3FC8];
	(tm) =	ssettm $0x1  }
0x92: {  	s4 =	sld [smem:$0x3FFB];
	_ =	sdelay $0x3  }
0x93: {  	_ =	strace s4  }
0x94: {  	s4 =	sld [smem:$0x3FFC];
	_ =	sdelay $0x3  }
0x95: {  	_ =	strace s4  }
0x96: {  	s4 =	sld [smem:$0x3FFD];
	_ =	sdelay $0x3  }
0x97: {  	_ =	strace s4  }
0x98: {  	_ =	strace $0x8FFFFFFF  }
0x99: {  	s19 =	sld [smem:$0x3FDB];
	_ =	sdelay $0x1  }
0x9a: {  	s5 =	simm.s32 $_scs_section_size  }
0x9b: {  	s6 =	simm.s32 $_size__tile_overlayer_lowered;
	s7 =	simm.s32 $_tile_overlayer_lowered  }
0x9c: {  	s22 =	simm.s32 $0x1BFF;
	s21 =	sshll.u32 s7, $0x1;
	s4 =	sadd.s32 s5, s19  }
0x9d: {  	s8 =	simm.s32 $0x0;
	s20 =	sshll.u32 s6, $0x1;
	s6 =	sadd.s32 s21, s4  }
0x9e: {  	[timem:s8], [sflag:s22] =	dma.local [hbm:s6], s20  }
0x9f: {  	_ =	swait.ge [sflag:s22], s20  }
0xa0: {  	s5 =	ssub.s32 $0x0, s20;
	[sflag:s22] =	ssyncset.done $0x0  }
0xa1: {  	[sflag:s22] =	ssyncadd.s32 s5;
	_ =	sdelay $0x1  }
0xa2: {  	s23 =	simm.s32 $0x1B8B  }
0xa3: {  	_ =	swait.ge [sflag:s23], $0x1  }
0xa4: {  	[sflag:s23] =	ssyncset.done $0x0  }
0xa5: {  	s25 =	simm.s32 $0x1B8E;
	s24 =	sld [smem:$0x3FFE];
	[sflag:s23] =	ssyncadd.s32 $0xFFFFFFFF  }
0xa6: {  	s26 =	simm.s32 $execute0_lowered;
	[smem:$0x3FD2] =	sst s25  }
0xa7: {  	s6 =	sshll.u32 s26, $0x1;
	_ =	strace $0x80000046;
	[dreg:$0x1] =	wrdreg $0xFFFFFFFF  }
0xa8: {  	s28 =	simm.s32 $_size_execute0_lowered;
	s4 =	sadd.s32 s4, s6;
	[dreg:$0x0] =	wrdreg $0x0  }
0xa9: {  	s6 =	sshll.u32 s28, $0x1;
	[dreg:$0x2] =	wrdreg s4  }
0xaa: {  	[dreg:$0x3] =	wrdreg s6  }
0xab: {  	[dreg:$0x4] =	wrdreg $0xC0  }
0xac: {  	_ =	task [dreg:s8], $0x5FFFF  }
0xad: {  	[dreg:$0x1] =	wrdreg $0xFFFFFFFF  }
0xae: {  	[dreg:$0x0] =	wrdreg $0x60  }
0xaf: {  	[dreg:$0x2] =	wrdreg s2  }
0xb0: {  	[dreg:$0x3] =	wrdreg s18  }
0xb1: {  	[dreg:$0x4] =	wrdreg s24  }
0xb2: {  	[dreg:$0x5] =	wrdreg $0x9  }
0xb3: {  	_ =	task.clear_ibuf [dreg:s8], $0x6FFFF;
	_ =	strace $0x90000046  }
0xb4: {  	s29 =	simm.s32 $0x9;
	_ =	strace $0x80000048  }
0xb5: {  	_ =	swait.ge [sflag:s29], $0x1  }
0xb6: {  	[sflag:s29] =	ssyncadd.s32 $0xFFFFFFFF  }
0xb7: {  	_ =	strace $0x90000048  }
0xb8: {  	_ =	sfence  }
0xb9: {  	s30 =	sld [smem:$0x0];
	_ =	sdelay $0x2  }
0xba: {  	s31 =	sshll.u32 s1, $0xD;
	s1 =	sshrl.u32 s1, $0x2  }
0xbb: {  	s3 =	sand.u32 $0x4000, s31;
	s1 =	sadd.s32 s1, s30  }
0xbc: {  	s0 =	sor.u32 s3, s0;
	s1 =	sshll.u32 s1, $0x11  }
0xbd: {  	s0 =	sor.u32 s1, s0  }
0xbe: {  	s0 =	sadd.s32 $0x8F2B, s0  }
0xbf: {  	[sflag:s0] =	ssyncadd.remote.s32 $0x1  }
0xc0: {  	_ =	sfence.sel $0xFFFF  }
0xc1: {  	[dreg:$0x0] =	wrdreg $0xFFFFFFFF;
	(pc) =	sbr.abs _section_cstart, $3  }
0xc2: {  	[dreg:$0x1] =	wrdreg $0xFFFFFFFF  }
0xc3: {  	_ =	task.clear_ibuf [dreg:s8], $0x2FFFF;
	_ =	strace $0x9FFFFFFF  }
0xc4: {  	(tm) =	ssettm $0x7FFFFFFF  }
0xc5: {  	_ =	shalt  }
tec
execute0_lowered:
.L_overlay_start_1:
0x0: {  	(tag) =	ssettag $0x1  }
0x1: {  	s1 =	rddreg [dreg:$0x0]  }
0x2: {  	s3 =	rddreg [dreg:$0x1]  }
0x3: {  	s6 =	rddreg [dreg:$0x2];
	s4 =	srdreg.scid  }
0x4: {  	s0 =	rddreg [dreg:$0x3];
	s2 =	stileid.u32;
	s10 =	simm.s32 $0x1  }
0x5: {  	s11 =	simm.s32 $0x6400;
	s12 =	simm.s32 $0xC900;
	s13 =	simm.s32 $0x0  }
0x6: {  	s5 =	sand.u32 $0x1, s4;
	s4 =	simm.s32 $0x0;
	s8 =	sshll.u32 s2, $0x1  }
0x7: {  	s7 =	ssub.s32 $0x2, s5;
	[smem:$0x7FF] =	sst s4;
	s5 =	sor.u32 s5, s8  }
0x8: {  	s9 =	sshrl.u32 s7, $0x1;
	_ =	strace $0x80000047;
	s8 =	sshll.u32 s5, $0x4  }
0x9: {  	s5 =	sshll.u32 s5, $0xA;
	s7 =	ssub.s32 s7, s9;
	s6 =	sadd.s32 s6, s8  }
0xa: {  	v0 =	vimm.f32 $+Inf;
	v1 =	vimm.f32 $0.0e+00;
	s8 =	simm.s32 $0x400;
	s9 =	simm.s32 $0x8000;
	s7 =	smax.u32 s7, $0x1  }
.LBB2_1:
0xb: {  	[tilespmem:$0xC800] =	vst v0  }
0xc: {  	[tilespmem:$0xC880] =	vst v1  }
0xd: {  	[tilespmem:$0xC810] =	vst v0  }
0xe: {  	[tilespmem:$0xC890] =	vst v1  }
0xf: {  	[tilespmem:$0xC820] =	vst v0  }
0x10: {  	[tilespmem:$0xC8A0] =	vst v1  }
0x11: {  	[tilespmem:$0xC830] =	vst v0  }
0x12: {  	[tilespmem:$0xC8B0] =	vst v1  }
0x13: {  	[tilespmem:$0xC840] =	vst v0  }
0x14: {  	[tilespmem:$0xC8C0] =	vst v1  }
0x15: {  	[tilespmem:$0xC850] =	vst v0  }
0x16: {  	[tilespmem:$0xC8D0] =	vst v1  }
0x17: {  	[tilespmem:$0xC860] =	vst v0  }
0x18: {  	[tilespmem:$0xC8E0] =	vst v1  }
0x19: {  	[tilespmem:$0xC870] =	vst v0  }
0x1a: {  	[tilespmem:$0xC8F0] =	vst v1;
	s15 =	simm.s32 $0x0  }
.LBB2_2:
0x1b: {  	s14 =	smul.u32 $0xC8000, s15;
	_ =	sdelay $0x1  }
0x1c: {  	s14 =	sor.u32 s5, s14  }
0x1d: {  	s14 =	sshrl.u32 s14, $0x3  }
0x1e: {  	s17 =	simm.s32 $0x0;
	s16 =	sadd.s32 s1, s14  }
0x1f: {  	[tilespmem:s17], [sflag:$0x1] =	stream.strided.gather [hbm4b:s16+s8], $0x6400, s9, s8, $0x38;
	[tilespmem:$0xC980] =	vst v63  }
0x20: {  	_ =	swait.ge [sflag:s10], $0x6400  }
0x21: {  	[sflag:s10] =	ssyncset.done $0x0  }
0x22: {  	s14 =	sadd.s32 s3, s14;
	[sflag:s10] =	ssyncadd.s32 $0xFFFF9C00  }
0x23: {  	[tilespmem:s11], [sflag:$0x1] =	stream.strided.gather [hbm4b:s14+s8], $0x6400, s9, s8, $0x38;
	[tilespmem:$0xC980] =	vst v63  }
0x24: {  	_ =	swait.ge [sflag:s10], $0x6400  }
0x25: {  	[sflag:s10] =	ssyncset.done $0x0  }
0x26: {  	[sflag:s10] =	ssyncadd.s32 $0xFFFF9C00  }
0x27: {  	s14 =	simm.s32 $0x0;
	v2 =	vld [tilespmem:$0xC800]  }
0x28: {  	v3 =	vld [tilespmem:s14+$0x0]  }
0x29: {  	v4 =	vld [tilespmem:s14+$0x6400];
	_ =	sdelay $0x4  }
0x2a: {  	v3 =	vmin.f32 v2, v3;
	vm0 =	vgt.f32 v4, $0.0e+00  }
0x2b: {  	v2 =	vsel vm0, v3, v2  }
0x2c: {  	v3 =	vld [tilespmem:$0xC810];
	[tilespmem:$0xC800] =	vst v2  }
0x2d: {  	v4 =	vld [tilespmem:s14+$0x10]  }
0x2e: {  	v5 =	vld [tilespmem:s14+$0x6410];
	_ =	sdelay $0x4  }
0x2f: {  	v4 =	vmin.f32 v3, v4;
	vm10 =	vgt.f32 v5, $0.0e+00  }
0x30: {  	v3 =	vsel vm10, v4, v3  }
0x31: {  	v4 =	vld [tilespmem:$0xC820];
	[tilespmem:$0xC810] =	vst v3  }
0x32: {  	v5 =	vld [tilespmem:s14+$0x20]  }
0x33: {  	v6 =	vld [tilespmem:s14+$0x6420];
	_ =	sdelay $0x4  }
0x34: {  	v5 =	vmin.f32 v4, v5;
	vm11 =	vgt.f32 v6, $0.0e+00  }
0x35: {  	v4 =	vsel vm11, v5, v4  }
0x36: {  	v5 =	vld [tilespmem:$0xC830];
	[tilespmem:$0xC820] =	vst v4  }
0x37: {  	v6 =	vld [tilespmem:s14+$0x30]  }
0x38: {  	v7 =	vld [tilespmem:s14+$0x6430];
	_ =	sdelay $0x4  }
0x39: {  	v6 =	vmin.f32 v5, v6;
	vm12 =	vgt.f32 v7, $0.0e+00  }
0x3a: {  	v5 =	vsel vm12, v6, v5  }
0x3b: {  	v6 =	vld [tilespmem:$0xC840];
	[tilespmem:$0xC830] =	vst v5  }
0x3c: {  	v7 =	vld [tilespmem:s14+$0x40]  }
0x3d: {  	v8 =	vld [tilespmem:s14+$0x6440];
	_ =	sdelay $0x4  }
0x3e: {  	v7 =	vmin.f32 v6, v7;
	vm13 =	vgt.f32 v8, $0.0e+00  }
0x3f: {  	v6 =	vsel vm13, v7, v6  }
0x40: {  	v7 =	vld [tilespmem:$0xC850];
	[tilespmem:$0xC840] =	vst v6  }
0x41: {  	v8 =	vld [tilespmem:s14+$0x50]  }
0x42: {  	v9 =	vld [tilespmem:s14+$0x6450];
	_ =	sdelay $0x4  }
0x43: {  	v8 =	vmin.f32 v7, v8;
	vm14 =	vgt.f32 v9, $0.0e+00  }
0x44: {  	v7 =	vsel vm14, v8, v7  }
0x45: {  	v8 =	vld [tilespmem:$0xC860];
	[tilespmem:$0xC850] =	vst v7  }
0x46: {  	v9 =	vld [tilespmem:s14+$0x60]  }
0x47: {  	v10 =	vld [tilespmem:s14+$0x6460];
	_ =	sdelay $0x4  }
0x48: {  	v9 =	vmin.f32 v8, v9;
	vm15 =	vgt.f32 v10, $0.0e+00  }
0x49: {  	v9 =	vsel vm15, v9, v8  }
0x4a: {  	s16 =	simm.s32 $0x200;
	v8 =	vld [tilespmem:$0xC870];
	[tilespmem:$0xC860] =	vst v9  }
.LBB2_3:
0x4b: {  	p0 =	sne.s32 s16, $0x18E00;
	v10 =	vld [tilespmem:s14+$0x70];
	s17 =	smov.u32 s16;
	s16 =	sadd.s32 $0x200, s16  }
0x4c: {  	v11 =	vld [tilespmem:s14+$0x6470];
	_ =	sdelay $0x3  }
0x4d: {  	v10 =	vmin.f32 v8, v10  }
0x4e: {  	vm0 =	vgt.f32 v11, $0.0e+00  }
0x4f: {  	v8 =	vsel vm0, v10, v8  }
0x50: {  	s14 =	sshra.s32 s17, $0x2;
	[tilespmem:$0xC870] =	vst v8  }
0x51: {  	v10 =	vld [tilespmem:s14+$0x0]  }
0x52: {  	v11 =	vld [tilespmem:s14+$0x6400];
	_ =	sdelay $0x3  }
0x53: {  	v10 =	vmin.f32 v2, v10  }
0x54: {  	vm0 =	vgt.f32 v11, $0.0e+00  }
0x55: {  	v2 =	vsel vm0, v10, v2  }
0x56: {  	[tilespmem:$0xC800] =	vst v2  }
0x57: {  	v10 =	vld [tilespmem:s14+$0x10]  }
0x58: {  	v11 =	vld [tilespmem:s14+$0x6410];
	_ =	sdelay $0x3  }
0x59: {  	v10 =	vmin.f32 v3, v10  }
0x5a: {  	vm0 =	vgt.f32 v11, $0.0e+00  }
0x5b: {  	v3 =	vsel vm0, v10, v3  }
0x5c: {  	[tilespmem:$0xC810] =	vst v3  }
0x5d: {  	v10 =	vld [tilespmem:s14+$0x20]  }
0x5e: {  	v11 =	vld [tilespmem:s14+$0x6420];
	_ =	sdelay $0x3  }
0x5f: {  	v10 =	vmin.f32 v4, v10  }
0x60: {  	vm0 =	vgt.f32 v11, $0.0e+00  }
0x61: {  	v4 =	vsel vm0, v10, v4  }
0x62: {  	[tilespmem:$0xC820] =	vst v4  }
0x63: {  	v10 =	vld [tilespmem:s14+$0x30]  }
0x64: {  	v11 =	vld [tilespmem:s14+$0x6430];
	_ =	sdelay $0x3  }
0x65: {  	v10 =	vmin.f32 v5, v10  }
0x66: {  	vm0 =	vgt.f32 v11, $0.0e+00  }
0x67: {  	v5 =	vsel vm0, v10, v5  }
0x68: {  	[tilespmem:$0xC830] =	vst v5  }
0x69: {  	v10 =	vld [tilespmem:s14+$0x40]  }
0x6a: {  	v11 =	vld [tilespmem:s14+$0x6440];
	_ =	sdelay $0x3  }
0x6b: {  	v10 =	vmin.f32 v6, v10  }
0x6c: {  	vm0 =	vgt.f32 v11, $0.0e+00  }
0x6d: {  	v6 =	vsel vm0, v10, v6  }
0x6e: {  	[tilespmem:$0xC840] =	vst v6  }
0x6f: {  	v10 =	vld [tilespmem:s14+$0x50]  }
0x70: {  	v11 =	vld [tilespmem:s14+$0x6450];
	_ =	sdelay $0x3  }
0x71: {  	v10 =	vmin.f32 v7, v10  }
0x72: {  	vm0 =	vgt.f32 v11, $0.0e+00  }
0x73: {  	v7 =	vsel vm0, v10, v7  }
0x74: {  	[tilespmem:$0xC850] =	vst v7  }
0x75: {  	v10 =	vld [tilespmem:s14+$0x60]  }
0x76: {  	v11 =	vld [tilespmem:s14+$0x6460];
	_ =	sdelay $0x2  }
.Ltmp0:
0x77: {  	(pc) =	sbr.rel @p0 .LBB2_3-.Ltmp0, $4  }
0x78: {  	v10 =	vmin.f32 v9, v10  }
0x79: {  	vm0 =	vgt.f32 v11, $0.0e+00  }
0x7a: {  	v9 =	vsel vm0, v10, v9  }
0x7b: {  	[tilespmem:$0xC860] =	vst v9  }
0x7c: {  	v2 =	vld [tilespmem:s14+$0x70]  }
0x7d: {  	v3 =	vld [tilespmem:s14+$0x6470]  }
0x7e: {  	s15 =	sadd.s32 $0x1, s15  }
0x7f: {  	p0 =	sne.s32 s15, $0x5  }
.Ltmp1:
0x80: {  	_ = 	snop;
	(pc) =	sbr.rel @p0 .LBB2_2-.Ltmp1, $4  }
0x81: {  	_ = 	snop  }
0x82: {  	v2 =	vmin.f32 v8, v2;
	vm0 =	vgt.f32 v3, $0.0e+00  }
0x83: {  	v2 =	vsel vm0, v2, v8  }
0x84: {  	s14 =	simm.s32 $0x0;
	[tilespmem:$0xC870] =	vst v2  }
0x85: {  	s15 =	simm.s32 $0x0  }
.LBB2_6:
0x86: {  	s16 =	smul.u32 $0xC8000, s15;
	_ =	sdelay $0x1  }
0x87: {  	s16 =	sor.u32 s5, s16  }
0x88: {  	s16 =	sshrl.u32 s16, $0x3  }
0x89: {  	s16 =	sadd.s32 s1, s16  }
0x8a: {  	[tilespmem:s14], [sflag:$0x1] =	stream.strided.gather [hbm4b:s16+s8], $0x6400, s9, s8, $0x38;
	[tilespmem:$0xC980] =	vst v63  }
0x8b: {  	_ =	swait.ge [sflag:s10], $0x6400  }
0x8c: {  	[sflag:s10] =	ssyncset.done $0x0  }
0x8d: {  	[sflag:s10] =	ssyncadd.s32 $0xFFFF9C00  }
0x8e: {  	s17 =	simm.s32 $0x200;
	s16 =	simm.s32 $0x0;
	v2 =	vld [tilespmem:$0xC800]  }
.LBB2_7:
0x8f: {  	p0 =	sne.s32 s17, $0x18E00;
	v3 =	vld [tilespmem:s16+$0x0];
	_ =	sdelay $0x1  }
0x90: {  	v4 =	vld [tilespmem:$0xC880];
	_ =	sdelay $0x2  }
0x91: {  	vm0 =	vge.f32 v3, v2  }
0x92: {  	v2 =	vsel vm0, $0x3F800000, v1  }
0x93: {  	v2 =	vadd.f32 v2, v4;
	_ =	sdelay $0x1  }
0x94: {  	[tilespmem:$0xC880] =	vst v2;
	v2 =	vld [tilespmem:$0xC810]  }
0x95: {  	v3 =	vld [tilespmem:s16+$0x10];
	_ =	sdelay $0x1  }
0x96: {  	v4 =	vld [tilespmem:$0xC890];
	_ =	sdelay $0x2  }
0x97: {  	vm0 =	vge.f32 v3, v2  }
0x98: {  	v2 =	vsel vm0, $0x3F800000, v1  }
0x99: {  	v2 =	vadd.f32 v2, v4;
	_ =	sdelay $0x1  }
0x9a: {  	[tilespmem:$0xC890] =	vst v2;
	v2 =	vld [tilespmem:$0xC820]  }
0x9b: {  	v3 =	vld [tilespmem:s16+$0x20];
	_ =	sdelay $0x1  }
0x9c: {  	v4 =	vld [tilespmem:$0xC8A0];
	_ =	sdelay $0x2  }
0x9d: {  	vm0 =	vge.f32 v3, v2  }
0x9e: {  	v2 =	vsel vm0, $0x3F800000, v1  }
0x9f: {  	v2 =	vadd.f32 v2, v4;
	_ =	sdelay $0x1  }
0xa0: {  	[tilespmem:$0xC8A0] =	vst v2;
	v2 =	vld [tilespmem:$0xC830]  }
0xa1: {  	v3 =	vld [tilespmem:s16+$0x30];
	_ =	sdelay $0x1  }
0xa2: {  	v4 =	vld [tilespmem:$0xC8B0];
	_ =	sdelay $0x2  }
0xa3: {  	vm0 =	vge.f32 v3, v2  }
0xa4: {  	v2 =	vsel vm0, $0x3F800000, v1  }
0xa5: {  	v2 =	vadd.f32 v2, v4;
	_ =	sdelay $0x1  }
0xa6: {  	[tilespmem:$0xC8B0] =	vst v2;
	v2 =	vld [tilespmem:$0xC840]  }
0xa7: {  	v3 =	vld [tilespmem:s16+$0x40];
	_ =	sdelay $0x1  }
0xa8: {  	v4 =	vld [tilespmem:$0xC8C0];
	_ =	sdelay $0x2  }
0xa9: {  	vm0 =	vge.f32 v3, v2  }
0xaa: {  	v2 =	vsel vm0, $0x3F800000, v1  }
0xab: {  	v2 =	vadd.f32 v2, v4;
	_ =	sdelay $0x1  }
0xac: {  	[tilespmem:$0xC8C0] =	vst v2;
	v2 =	vld [tilespmem:$0xC850]  }
0xad: {  	v3 =	vld [tilespmem:s16+$0x50];
	_ =	sdelay $0x1  }
0xae: {  	v4 =	vld [tilespmem:$0xC8D0];
	_ =	sdelay $0x2  }
0xaf: {  	vm0 =	vge.f32 v3, v2  }
0xb0: {  	v2 =	vsel vm0, $0x3F800000, v1  }
0xb1: {  	v2 =	vadd.f32 v2, v4;
	_ =	sdelay $0x1  }
0xb2: {  	[tilespmem:$0xC8D0] =	vst v2;
	v2 =	vld [tilespmem:$0xC860]  }
0xb3: {  	v3 =	vld [tilespmem:s16+$0x60];
	_ =	sdelay $0x1  }
0xb4: {  	v4 =	vld [tilespmem:$0xC8E0];
	_ =	sdelay $0x2  }
0xb5: {  	vm0 =	vge.f32 v3, v2  }
0xb6: {  	v2 =	vsel vm0, $0x3F800000, v1  }
0xb7: {  	v2 =	vadd.f32 v2, v4;
	_ =	sdelay $0x1  }
0xb8: {  	[tilespmem:$0xC8E0] =	vst v2;
	v2 =	vld [tilespmem:$0xC870]  }
0xb9: {  	v3 =	vld [tilespmem:s16+$0x70];
	_ =	sdelay $0x1  }
0xba: {  	v4 =	vld [tilespmem:$0xC8F0];
	_ =	sdelay $0x2  }
.Ltmp2:
0xbb: {  	vm0 =	vge.f32 v3, v2;
	(pc) =	sbr.rel @p0 .LBB2_7-.Ltmp2, $3  }
0xbc: {  	v2 =	vsel vm0, $0x3F800000, v1  }
0xbd: {  	v3 =	vadd.f32 v2, v4;
	_ =	sdelay $0x1  }
0xbe: {  	s16 =	sshra.s32 s17, $0x2;
	s17 =	sadd.s32 $0x200, s17;
	v2 =	vld [tilespmem:$0xC800];
	[tilespmem:$0xC8F0] =	vst v3  }
0xbf: {  	v3 =	vld [tilespmem:s16+$0x0];
	_ =	sdelay $0x1  }
0xc0: {  	v4 =	vld [tilespmem:$0xC880];
	_ =	sdelay $0x2  }
0xc1: {  	vm0 =	vge.f32 v3, v2  }
0xc2: {  	v2 =	vsel vm0, $0x3F800000, v1  }
0xc3: {  	v2 =	vadd.f32 v2, v4;
	_ =	sdelay $0x1  }
0xc4: {  	v3 =	vld [tilespmem:$0xC810];
	[tilespmem:$0xC880] =	vst v2  }
0xc5: {  	v4 =	vld [tilespmem:s16+$0x10];
	_ =	sdelay $0x1  }
0xc6: {  	v5 =	vld [tilespmem:$0xC890];
	_ =	sdelay $0x2  }
0xc7: {  	vm9 =	vge.f32 v4, v3  }
0xc8: {  	v3 =	vsel vm9, $0x3F800000, v1  }
0xc9: {  	v3 =	vadd.f32 v3, v5;
	_ =	sdelay $0x1  }
0xca: {  	v4 =	vld [tilespmem:$0xC820];
	[tilespmem:$0xC890] =	vst v3  }
0xcb: {  	v5 =	vld [tilespmem:s16+$0x20];
	_ =	sdelay $0x1  }
0xcc: {  	v6 =	vld [tilespmem:$0xC8A0];
	_ =	sdelay $0x2  }
0xcd: {  	vm10 =	vge.f32 v5, v4  }
0xce: {  	v4 =	vsel vm10, $0x3F800000, v1  }
0xcf: {  	v4 =	vadd.f32 v4, v6;
	_ =	sdelay $0x1  }
0xd0: {  	v5 =	vld [tilespmem:$0xC830];
	[tilespmem:$0xC8A0] =	vst v4  }
0xd1: {  	v6 =	vld [tilespmem:s16+$0x30];
	_ =	sdelay $0x1  }
0xd2: {  	v7 =	vld [tilespmem:$0xC8B0];
	_ =	sdelay $0x2  }
0xd3: {  	vm11 =	vge.f32 v6, v5  }
0xd4: {  	v5 =	vsel vm11, $0x3F800000, v1  }
0xd5: {  	v5 =	vadd.f32 v5, v7;
	_ =	sdelay $0x1  }
0xd6: {  	v6 =	vld [tilespmem:$0xC840];
	[tilespmem:$0xC8B0] =	vst v5  }
0xd7: {  	v7 =	vld [tilespmem:s16+$0x40];
	_ =	sdelay $0x1  }
0xd8: {  	v8 =	vld [tilespmem:$0xC8C0];
	_ =	sdelay $0x2  }
0xd9: {  	vm12 =	vge.f32 v7, v6  }
0xda: {  	v6 =	vsel vm12, $0x3F800000, v1  }
0xdb: {  	v6 =	vadd.f32 v6, v8;
	_ =	sdelay $0x1  }
0xdc: {  	v7 =	vld [tilespmem:$0xC850];
	[tilespmem:$0xC8C0] =	vst v6  }
0xdd: {  	v8 =	vld [tilespmem:s16+$0x50];
	_ =	sdelay $0x1  }
0xde: {  	v9 =	vld [tilespmem:$0xC8D0];
	_ =	sdelay $0x2  }
0xdf: {  	vm13 =	vge.f32 v8, v7  }
0xe0: {  	v7 =	vsel vm13, $0x3F800000, v1  }
0xe1: {  	v7 =	vadd.f32 v7, v9;
	_ =	sdelay $0x1  }
0xe2: {  	v8 =	vld [tilespmem:$0xC860];
	[tilespmem:$0xC8D0] =	vst v7  }
0xe3: {  	v9 =	vld [tilespmem:s16+$0x60];
	_ =	sdelay $0x1  }
0xe4: {  	v10 =	vld [tilespmem:$0xC8E0];
	_ =	sdelay $0x2  }
0xe5: {  	vm14 =	vge.f32 v9, v8  }
0xe6: {  	v8 =	vsel vm14, $0x3F800000, v1  }
0xe7: {  	v8 =	vadd.f32 v8, v10;
	_ =	sdelay $0x1  }
0xe8: {  	v9 =	vld [tilespmem:$0xC870];
	[tilespmem:$0xC8E0] =	vst v8  }
0xe9: {  	v10 =	vld [tilespmem:s16+$0x70];
	_ =	sdelay $0x1  }
0xea: {  	v11 =	vld [tilespmem:$0xC8F0]  }
0xeb: {  	s15 =	sadd.s32 $0x1, s15  }
0xec: {  	p0 =	sne.s32 s15, $0x5  }
.Ltmp3:
0xed: {  	vm15 =	vge.f32 v10, v9;
	(pc) =	sbr.rel @p0 .LBB2_6-.Ltmp3, $3  }
0xee: {  	v9 =	vsel vm15, $0x3F800000, v1  }
0xef: {  	v9 =	vadd.f32 v9, v11;
	_ =	sdelay $0x1  }
0xf0: {  	[tilespmem:$0xC8F0] =	vst v9  }
0xf1: {  	v10 =	vld [tilespmem:$0xC800]  }
0xf2: {  	v11 =	vld [tilespmem:$0xC810]  }
0xf3: {  	v12 =	vld [tilespmem:$0xC820];
	_ =	sdelay $0x2  }
0xf4: {  	v60 =	vld [tilespmem:$0xC830];
	vm0 =	vlt.f32 v10, $+Inf  }
0xf5: {  	vm1 =	vgt.f32 v10, $+Inf;
	vm14 =	vlt.f32 v11, $+Inf;
	vm2 =	vgt.f32 v11, $+Inf  }
0xf6: {  	v61 =	vld [tilespmem:$0xC840];
	vm4 =	vlt.f32 v12, $+Inf;
	vm0 =	vmor vm1, vm0;
	vm15 =	vmor vm2, vm14  }
0xf7: {  	vm5 =	vgt.f32 v12, $+Inf;
	v2 =	vnsel vm0, $0x0, v2;
	v3 =	vnsel vm15, $0x0, v3  }
0xf8: {  	vm0 =	vmor vm5, vm4;
	v2 =	vadd.f32 v3, v2;
	v3 =	vld [tilespmem:$0xC850]  }
0xf9: {  	vm6 =	vlt.f32 v60, $+Inf;
	vm7 =	vgt.f32 v60, $+Inf;
	v4 =	vnsel vm0, $0x0, v4  }
0xfa: {  	v62 =	vld [tilespmem:$0xC860];
	vm0 =	vmor vm7, vm6;
	v2 =	vadd.f32 v4, v2  }
0xfb: {  	vm8 =	vlt.f32 v61, $+Inf;
	vm9 =	vgt.f32 v61, $+Inf;
	v5 =	vnsel vm0, $0x0, v5  }
0xfc: {  	v63 =	vld [tilespmem:$0xC870];
	vm0 =	vmor vm9, vm8;
	v2 =	vadd.f32 v5, v2  }
0xfd: {  	v6 =	vnsel vm0, $0x0, v6;
	vm10 =	vlt.f32 v3, $+Inf;
	vm11 =	vgt.f32 v3, $+Inf  }
0xfe: {  	v2 =	vadd.f32 v6, v2;
	vm0 =	vmor vm11, vm10  }
0xff: {  	vm12 =	vlt.f32 v62, $+Inf;
	vm13 =	vgt.f32 v62, $+Inf;
	v3 =	vnsel vm0, $0x0, v7  }
0x100: {  	vm0 =	vmor vm13, vm12;
	v2 =	vadd.f32 v3, v2  }
0x101: {  	vm14 =	vlt.f32 v63, $+Inf;
	vm15 =	vgt.f32 v63, $+Inf;
	v3 =	vnsel vm0, $0x0, v8  }
0x102: {  	vm0 =	vmor vm15, vm14;
	v2 =	vadd.f32 v3, v2  }
0x103: {  	v3 =	vnsel vm0, $0x0, v9  }
0x104: {  	s13 =	sadd.s32 $0x1, s13;
	v2 =	vadd.f32 v3, v2  }
0x105: {  	p0 =	sne.s32 s13, s7  }
.Ltmp4:
0x106: {  	[tilespmem:$0xC900] =	vst v2;
	(pc) =	sbr.rel @p0 .LBB2_1-.Ltmp4, $4  }
0x107: {  	[hbm4b:s6+s4] =	stream.linear.scatter [tilespmem:s12], [sflag:$0x1], $0x80, $0x38;
	[tilespmem:$0xC980] =	vst v63  }
0x108: {  	_ =	swait.ge [sflag:s10], $0x80  }
0x109: {  	[sflag:s10] =	ssyncset.done $0x0  }
0x10a: {  	[sflag:s10] =	ssyncadd.s32 $0xFFFFFF80  }
0x10b: {  	_ =	sfence.sel $0x180000  }
0x10c: {  	[bflag:$0x0] =	sbarrier.arrive $0xFFFF  }
0x10d: {  	p0 =	sne.s32 s2, $0x0;
	_ =	strace $0x90000047  }
0x10e: {  	s0 =	sadd.s32 @!p0 $0x100000, s0;
	[bflag:$0x2] =	sbarrier.arrive $0xFFFF  }
0x10f: {  	[sflag:s0] =	ssyncadd.tile.s32 @!p0 $0x1;
	_ =	shalt  }
.Lfunc_end2:
_tile_overlayer_lowered:
.L_overlay_start_2:
0x110: {  	(tag) =	ssettag $0x2  }
0x111: {  	s0 =	rddreg [dreg:$0x0];
	s2 =	stileid.u32  }
0x112: {  	s1 =	rddreg [dreg:$0x1];
	p0 =	sne.s32 s2, $0x0  }
0x113: {  	s3 =	rddreg [dreg:$0x2];
	[bflag:$0x3] =	sbarrier.arrive $0xFFFF;
	s2 =	simm.s32 @!p0 $0x1C01  }
0x114: {  	[timem:s3], [sflag:s2] =	dma.local @!p0 [hbm:s0], s1  }
0x115: {  	s0 =	simm.s32 @!p0 $0x1  }
0x116: {  	_ =	swait.ge @!p0 [sflag:s0], s1  }
0x117: {  	s1 =	ssub.s32 @!p0 $0x0, s1;
	[sflag:s0] =	ssyncset.done @!p0 $0x0  }
0x118: {  	[sflag:s0] =	ssyncadd.s32 @!p0 s1  }
0x119: {  	[bflag:$0x3] =	sbarrier.arrive $0xFFFF  }
0x11a: {  	_ =	shalt  }

</sc_bundles>
